<compile_context>
chip_gen: v7x
topology: tpu7x:2x2x1
jax: 0.10.2.dev20260603
libtpu: 0.0.44.dev20260713+nightly
codegen_flags: <defaults>
</compile_context>

<pallas_src>
import functools

import jax
import jax.numpy as jnp
from jax import lax
from jax.experimental import pallas as pl
from jax.experimental.pallas import tpu as pltpu
from jax.experimental.pallas import tpu_sc as plsc

_L = 16


def _make_sc_loss(n: int, c: int, ns: int):
    per = n // ns
    ng = per // _L
    assert n % ns == 0 and per % _L == 0 and 128 % per == 0

    mesh = plsc.VectorSubcoreMesh(
        core_axis_name="c", subcore_axis_name="s", num_cores=1
    )

    @functools.partial(
        pl.kernel,
        mesh=mesh,
        out_type=jax.ShapeDtypeStruct((_L,), jnp.float32),
        scratch_types=[
            pltpu.VMEM((per,), jnp.int32),
            pltpu.VMEM((per,), jnp.float32),
            pltpu.VMEM((per, 128), jnp.float32),
            pltpu.VMEM((_L,), jnp.float32),
            pltpu.VMEM((ns * _L,), jnp.float32),
            pltpu.VMEM_SHARED((ns * _L,), jnp.float32),
            pltpu.SemaphoreType.DMA,
            pltpu.SemaphoreType.DMA,
        ],
    )
    def loss_kernel(tgt_hbm, rwd_hbm, probt_hbm, out_hbm,
                    tgt_v, rwd_v, vals_v, res_v, all_v, shared, sem, sem2):
        sid = lax.axis_index("s")
        base = pl.multiple_of(sid * per, per)
        rwd_cp = pltpu.async_copy(rwd_hbm.at[pl.ds(base, per)], rwd_v, sem2)
        pltpu.sync_copy(tgt_hbm.at[pl.ds(base, per)], tgt_v)
        col0 = pl.multiple_of((sid // (128 // per)) * 128, 128)
        window = probt_hbm.at[:, pl.ds(col0, 128)]
        gather_cp = pltpu.async_copy(window.at[tgt_v], vals_v, sem)
        rwd_cp.wait()
        gather_cp.wait()
        coloff = base - col0
        lanes = lax.iota(jnp.int32, _L)
        acc = jnp.zeros((_L,), jnp.float32)
        for g in range(ng):
            rv = rwd_v[pl.ds(g * _L, _L)]
            start = pl.multiple_of(coloff + g * _L, _L)
            diag = vals_v[g * _L, pl.ds(start, _L)]
            for l in range(1, _L):
                v = vals_v[g * _L + l, pl.ds(start, _L)]
                diag = jnp.where(lanes == l, v, diag)
            acc = acc + diag * rv
        res_v[...] = acc
        pltpu.sync_copy(res_v, shared.at[pl.ds(sid * _L, _L)])
        plsc.subcore_barrier()

        @pl.when(sid == 0)
        def _():
            pltpu.sync_copy(shared, all_v)
            tot = jnp.zeros((_L,), jnp.float32)
            for w in range(ns):
                tot = tot + all_v[pl.ds(w * _L, _L)]
            s = jnp.float32(0)
            for k in range(_L):
                s = s + tot[k]
            res_v[...] = jnp.full((_L,), -s, jnp.float32)
            pltpu.sync_copy(res_v, out_hbm)

    return loss_kernel


def kernel(prob, target, reward):
    n, c = prob.shape
    try:
        info = plsc.get_sparse_core_info()
        ns = info.num_subcores
    except RuntimeError:
        ns = 16
    out = _make_sc_loss(n, c, ns)(
        target.astype(jnp.int32),
        reward.astype(jnp.float32),
        prob.T,
    )
    return out[0]

# --- scband reference (transcript-rebuilt; emitter-appended) ---
"""Pipeline reference for scband-ganloss-89008902242786 (READ-ONLY COPY).

The authoritative reference and input builder live on the scoring server;
editing this copy changes nothing except your own understanding.
"""

import jax, jax.numpy as jnp
import numpy as np

N = 1024
C = 100000

def setup_inputs(seed: int = 0) -> dict:
    key = jax.random.key(seed)
    k1, k2, k3 = jax.random.split(key, 3)
    prob = jax.random.normal(k1, (N, C), dtype=jnp.float32)
    target = jax.random.randint(k2, (N,), 0, C, dtype=jnp.int64)
    reward = jax.random.uniform(k3, (N,), dtype=jnp.float32)
    return {"prob": prob, "target": target, "reward": reward}

def reference(prob, target, reward):
    # one_hot scatter + masked_select is equivalent to gathering prob[i, target[i]]
    picked = jnp.take_along_axis(prob, target[:, None].astype(jnp.int32), axis=1)[:, 0]
    loss = picked * reward
    return -jnp.sum(loss)

if __name__ == "__main__":
    import jax
    _d = setup_inputs()
    print(jax.jit(kernel)(*tuple(_d.values())))

</pallas_src>

<mosaic_0001>
#map = affine_map<(d0, d1) -> (0)>
#map1 = affine_map<(d0, d1) -> (0, 0)>
module attributes {stable_mosaic.version = 14 : i64} {
  func.func @loss_kernel(%arg0: i32, %arg1: i32, %arg2: memref<1024xi32, #tpu.memory_space<hbm>>, %arg3: memref<1024xf32, #tpu.memory_space<hbm>>, %arg4: memref<100000x1024xf32, #tpu.memory_space<hbm>>, %arg5: memref<16xf32, #tpu.memory_space<hbm>>, %arg6: memref<64xi32, #tpu.memory_space<vmem>>, %arg7: memref<64xf32, #tpu.memory_space<vmem>>, %arg8: memref<64x128xf32, #tpu.memory_space<vmem>>, %arg9: memref<16xf32, #tpu.memory_space<vmem>>, %arg10: memref<256xf32, #tpu.memory_space<vmem>>, %arg11: memref<256xf32, #tpu.memory_space<vmem_shared>>, %arg12: memref<!tpu.dma_semaphore, #tpu.memory_space<semaphore_mem>>, %arg13: memref<!tpu.dma_semaphore, #tpu.memory_space<semaphore_mem>>) attributes {dimension_semantics = [#tpu.dimension_semantics<core_parallel>, #tpu.dimension_semantics<subcore_parallel>], iteration_bounds = array<i64: 1, 16>, scalar_prefetch = 0 : i64, scratch_operands = 8 : i64, tpu.core_type = #tpu.core_type<sc_vector_subcore>, window_params = [{transform_indices = #map}, {transform_indices = #map}, {transform_indices = #map1}, {transform_indices = #map}]} {
    %mul3A = arith.constant 64 : i32
    %mul3A_0 = arith.muli %arg1, %mul3A : i32
    %multiple_of3A = tpu.assume_multiple %mul3A_0, 64 : i32
    %dma_start3A = tpu.memref_slice %arg3[%multiple_of3A] : memref<1024xf32, #tpu.memory_space<hbm>> -> memref<64xf32, #tpu.memory_space<hbm>>
    %dma_start3A_1 = tpu.memref_slice %arg3[%multiple_of3A] : memref<1024xf32, #tpu.memory_space<hbm>> -> memref<64xf32, #tpu.memory_space<hbm>>
    tpu.enqueue_dma source(%dma_start3A_1 : memref<64xf32, #tpu.memory_space<hbm>>) target(%arg7 : memref<64xf32, #tpu.memory_space<vmem>>) target_semaphore(%arg13 : memref<!tpu.dma_semaphore, #tpu.memory_space<semaphore_mem>>)
    "tpu.region"() ({
      %run_scoped3A = tpu.sem_alloc : memref<!tpu.dma_semaphore, #tpu.memory_space<semaphore_mem>>
      %dma_start3A_631 = tpu.memref_slice %arg2[%multiple_of3A] : memref<1024xi32, #tpu.memory_space<hbm>> -> memref<64xi32, #tpu.memory_space<hbm>>
      %dma_start3A_632 = tpu.memref_slice %arg2[%multiple_of3A] : memref<1024xi32, #tpu.memory_space<hbm>> -> memref<64xi32, #tpu.memory_space<hbm>>
      tpu.enqueue_dma source(%dma_start3A_632 : memref<64xi32, #tpu.memory_space<hbm>>) target(%arg6 : memref<64xi32, #tpu.memory_space<vmem>>) target_semaphore(%run_scoped3A : memref<!tpu.dma_semaphore, #tpu.memory_space<semaphore_mem>>)
      %dma_wait3A_633 = tpu.memref_slice %arg2[%multiple_of3A] : memref<1024xi32, #tpu.memory_space<hbm>> -> memref<64xi32, #tpu.memory_space<hbm>>
      %dma_wait3A_634 = tpu.memref_slice %arg2[%multiple_of3A] : memref<1024xi32, #tpu.memory_space<hbm>> -> memref<64xi32, #tpu.memory_space<hbm>>
      tpu.wait_dma2 semaphore(%run_scoped3A : memref<!tpu.dma_semaphore, #tpu.memory_space<semaphore_mem>>) src(%dma_wait3A_634 : memref<64xi32, #tpu.memory_space<hbm>>) dst(%arg6 : memref<64xi32, #tpu.memory_space<vmem>>)
      tpu.yield
    }) : () -> ()
    %jit3A = arith.constant 2 : i32
    %div3A = arith.divsi %arg1, %jit3A : i32
    %sign3A = arith.constant 0 : i32
    %sign3A_2 = arith.cmpi sgt, %arg1, %sign3A : i32
    %sign3A_3 = arith.extui %sign3A_2 : i1 to i32
    %sign3A_4 = arith.constant 0 : i32
    %sign3A_5 = arith.cmpi slt, %arg1, %sign3A_4 : i32
    %sign3A_6 = arith.extui %sign3A_5 : i1 to i32
    %sign3A_7 = arith.subi %sign3A_3, %sign3A_6 : i32
    %sign3A_8 = arith.constant 0 : i32
    %sign3A_9 = arith.cmpi sgt, %jit3A, %sign3A_8 : i32
    %sign3A_10 = arith.extui %sign3A_9 : i1 to i32
    %sign3A_11 = arith.constant 0 : i32
    %sign3A_12 = arith.cmpi slt, %jit3A, %sign3A_11 : i32
    %sign3A_13 = arith.extui %sign3A_12 : i1 to i32
    %sign3A_14 = arith.subi %sign3A_10, %sign3A_13 : i32
    %ne3A = arith.cmpi ne, %sign3A_7, %sign3A_14 : i32
    %rem3A = arith.remsi %arg1, %jit3A : i32
    %ne3A_15 = arith.constant 0 : i32
    %ne3A_16 = arith.cmpi ne, %rem3A, %ne3A_15 : i32
    %and3A = arith.andi %ne3A, %ne3A_16 : i1
    %sub3A = arith.constant 1 : i32
    %sub3A_17 = arith.subi %div3A, %sub3A : i32
    %select_n3A = arith.select %and3A, %sub3A_17, %div3A : i32
    %mul3A_18 = arith.constant 128 : i32
    %mul3A_19 = arith.muli %select_n3A, %mul3A_18 : i32
    %multiple_of3A_20 = tpu.assume_multiple %mul3A_19, 128 : i32
    %dma_start3A_21 = arith.constant 0 : i32
    %dma_start3A_22 = tpu.memref_slice %arg4[%dma_start3A_21, %multiple_of3A_20] : memref<100000x1024xf32, #tpu.memory_space<hbm>> -> memref<100000x128xf32, #tpu.memory_space<hbm>>
    %dma_start3A_23 = arith.constant 0 : i32
    %dma_start3A_24 = arith.constant 0 : i32
    %dma_start3A_25 = tpu.memref_slice %dma_start3A_22[%dma_start3A_23, %dma_start3A_24] : memref<100000x128xf32, #tpu.memory_space<hbm>> -> memref<100000x128xf32, #tpu.memory_space<hbm>>
    tpu.enqueue_indirect_dma source(%dma_start3A_25 : memref<100000x128xf32, #tpu.memory_space<hbm>>) target(%arg8 : memref<64x128xf32, #tpu.memory_space<vmem>>) offsets(%arg6 : memref<64xi32, #tpu.memory_space<vmem>>) semaphore(%arg12 : memref<!tpu.dma_semaphore, #tpu.memory_space<semaphore_mem>>)
    %dma_wait3A = tpu.memref_slice %arg3[%multiple_of3A] : memref<1024xf32, #tpu.memory_space<hbm>> -> memref<64xf32, #tpu.memory_space<hbm>>
    %dma_wait3A_26 = tpu.memref_slice %arg3[%multiple_of3A] : memref<1024xf32, #tpu.memory_space<hbm>> -> memref<64xf32, #tpu.memory_space<hbm>>
    tpu.wait_dma2 semaphore(%arg13 : memref<!tpu.dma_semaphore, #tpu.memory_space<semaphore_mem>>) src(%dma_wait3A_26 : memref<64xf32, #tpu.memory_space<hbm>>) dst(%arg7 : memref<64xf32, #tpu.memory_space<vmem>>)
    %dma_wait3A_27 = arith.constant 0 : i32
    %dma_wait3A_28 = tpu.memref_slice %arg4[%dma_wait3A_27, %multiple_of3A_20] : memref<100000x1024xf32, #tpu.memory_space<hbm>> -> memref<100000x128xf32, #tpu.memory_space<hbm>>
    %dma_wait3A_29 = arith.constant 0 : i32
    %dma_wait3A_30 = arith.constant 0 : i32
    %dma_wait3A_31 = tpu.memref_slice %dma_wait3A_28[%dma_wait3A_29, %dma_wait3A_30] : memref<100000x128xf32, #tpu.memory_space<hbm>> -> memref<100000x128xf32, #tpu.memory_space<hbm>>
    tpu.wait_indirect_dma semaphore(%arg12 : memref<!tpu.dma_semaphore, #tpu.memory_space<semaphore_mem>>) src(%dma_wait3A_31 : memref<100000x128xf32, #tpu.memory_space<hbm>>) dst(%arg8 : memref<64x128xf32, #tpu.memory_space<vmem>>)
    %sub3A_32 = arith.subi %multiple_of3A, %multiple_of3A_20 : i32
    %iota3A = tpu.iota {dimensions = array<i32: 0>} : vector<16xi32>
    %broadcast_in_dim3A = arith.constant 0.000000e+00 : f32
    %broadcast_in_dim3A_33 = vector.broadcast %broadcast_in_dim3A : f32 to vector<16xf32>
    %get3A = arith.constant 0 : index
    %get3A_34 = tpu.vector_load %arg7[%get3A] {strides = array<i32>} : memref<64xf32, #tpu.memory_space<vmem>>, vector<16xf32>,
    %get3A_35 = vector.shape_cast %get3A_34 : vector<16xf32> to vector<16xf32>
    %add3A = arith.constant 0 : i32
    %add3A_36 = arith.addi %sub3A_32, %add3A : i32
    %multiple_of3A_37 = tpu.assume_multiple %add3A_36, 16 : i32
    %get3A_38 = arith.constant 0 : i32
    %get3A_39 = arith.index_cast %get3A_38 : i32 to index
    %get3A_40 = arith.index_cast %multiple_of3A_37 : i32 to index
    %get3A_41 = tpu.vector_load %arg8[%get3A_39, %get3A_40] {strides = array<i32>} : memref<64x128xf32, #tpu.memory_space<vmem>>, vector<1x16xf32>,
    %get3A_42 = vector.shape_cast %get3A_41 : vector<1x16xf32> to vector<16xf32>
    %get3A_43 = arith.constant 1 : i32
    %get3A_44 = arith.index_cast %get3A_43 : i32 to index
    %get3A_45 = arith.index_cast %multiple_of3A_37 : i32 to index
    %get3A_46 = tpu.vector_load %arg8[%get3A_44, %get3A_45] {strides = array<i32>} : memref<64x128xf32, #tpu.memory_space<vmem>>, vector<1x16xf32>,
    %get3A_47 = vector.shape_cast %get3A_46 : vector<1x16xf32> to vector<16xf32>
    %eq3A = arith.constant 1 : i32
    %eq3A_48 = vector.broadcast %eq3A : i32 to vector<16xi32>
    %eq3A_49 = arith.cmpi eq, %iota3A, %eq3A_48 : vector<16xi32>
    %select_n3A_50 = arith.select %eq3A_49, %get3A_47, %get3A_42 : vector<16xi1>, vector<16xf32>
    %get3A_51 = arith.constant 2 : i32
    %get3A_52 = arith.index_cast %get3A_51 : i32 to index
    %get3A_53 = arith.index_cast %multiple_of3A_37 : i32 to index
    %get3A_54 = tpu.vector_load %arg8[%get3A_52, %get3A_53] {strides = array<i32>} : memref<64x128xf32, #tpu.memory_space<vmem>>, vector<1x16xf32>,
    %get3A_55 = vector.shape_cast %get3A_54 : vector<1x16xf32> to vector<16xf32>
    %eq3A_56 = arith.constant 2 : i32
    %eq3A_57 = vector.broadcast %eq3A_56 : i32 to vector<16xi32>
    %eq3A_58 = arith.cmpi eq, %iota3A, %eq3A_57 : vector<16xi32>
    %select_n3A_59 = arith.select %eq3A_58, %get3A_55, %select_n3A_50 : vector<16xi1>, vector<16xf32>
    %get3A_60 = arith.constant 3 : i32
    %get3A_61 = arith.index_cast %get3A_60 : i32 to index
    %get3A_62 = arith.index_cast %multiple_of3A_37 : i32 to index
    %get3A_63 = tpu.vector_load %arg8[%get3A_61, %get3A_62] {strides = array<i32>} : memref<64x128xf32, #tpu.memory_space<vmem>>, vector<1x16xf32>,
    %get3A_64 = vector.shape_cast %get3A_63 : vector<1x16xf32> to vector<16xf32>
    %eq3A_65 = arith.constant 3 : i32
    %eq3A_66 = vector.broadcast %eq3A_65 : i32 to vector<16xi32>
    %eq3A_67 = arith.cmpi eq, %iota3A, %eq3A_66 : vector<16xi32>
    %select_n3A_68 = arith.select %eq3A_67, %get3A_64, %select_n3A_59 : vector<16xi1>, vector<16xf32>
    %get3A_69 = arith.constant 4 : i32
    %get3A_70 = arith.index_cast %get3A_69 : i32 to index
    %get3A_71 = arith.index_cast %multiple_of3A_37 : i32 to index
    %get3A_72 = tpu.vector_load %arg8[%get3A_70, %get3A_71] {strides = array<i32>} : memref<64x128xf32, #tpu.memory_space<vmem>>, vector<1x16xf32>,
    %get3A_73 = vector.shape_cast %get3A_72 : vector<1x16xf32> to vector<16xf32>
    %eq3A_74 = arith.constant 4 : i32
    %eq3A_75 = vector.broadcast %eq3A_74 : i32 to vector<16xi32>
    %eq3A_76 = arith.cmpi eq, %iota3A, %eq3A_75 : vector<16xi32>
    %select_n3A_77 = arith.select %eq3A_76, %get3A_73, %select_n3A_68 : vector<16xi1>, vector<16xf32>
    %get3A_78 = arith.constant 5 : i32
    %get3A_79 = arith.index_cast %get3A_78 : i32 to index
    %get3A_80 = arith.index_cast %multiple_of3A_37 : i32 to index
    %get3A_81 = tpu.vector_load %arg8[%get3A_79, %get3A_80] {strides = array<i32>} : memref<64x128xf32, #tpu.memory_space<vmem>>, vector<1x16xf32>,
    %get3A_82 = vector.shape_cast %get3A_81 : vector<1x16xf32> to vector<16xf32>
    %eq3A_83 = arith.constant 5 : i32
    %eq3A_84 = vector.broadcast %eq3A_83 : i32 to vector<16xi32>
    %eq3A_85 = arith.cmpi eq, %iota3A, %eq3A_84 : vector<16xi32>
    %select_n3A_86 = arith.select %eq3A_85, %get3A_82, %select_n3A_77 : vector<16xi1>, vector<16xf32>
    %get3A_87 = arith.constant 6 : i32
    %get3A_88 = arith.index_cast %get3A_87 : i32 to index
    %get3A_89 = arith.index_cast %multiple_of3A_37 : i32 to index
    %get3A_90 = tpu.vector_load %arg8[%get3A_88, %get3A_89] {strides = array<i32>} : memref<64x128xf32, #tpu.memory_space<vmem>>, vector<1x16xf32>,
    %get3A_91 = vector.shape_cast %get3A_90 : vector<1x16xf32> to vector<16xf32>
    %eq3A_92 = arith.constant 6 : i32
    %eq3A_93 = vector.broadcast %eq3A_92 : i32 to vector<16xi32>
    %eq3A_94 = arith.cmpi eq, %iota3A, %eq3A_93 : vector<16xi32>
    %select_n3A_95 = arith.select %eq3A_94, %get3A_91, %select_n3A_86 : vector<16xi1>, vector<16xf32>
    %get3A_96 = arith.constant 7 : i32
    %get3A_97 = arith.index_cast %get3A_96 : i32 to index
    %get3A_98 = arith.index_cast %multiple_of3A_37 : i32 to index
    %get3A_99 = tpu.vector_load %arg8[%get3A_97, %get3A_98] {strides = array<i32>} : memref<64x128xf32, #tpu.memory_space<vmem>>, vector<1x16xf32>,
    %get3A_100 = vector.shape_cast %get3A_99 : vector<1x16xf32> to vector<16xf32>
    %eq3A_101 = arith.constant 7 : i32
    %eq3A_102 = vector.broadcast %eq3A_101 : i32 to vector<16xi32>
    %eq3A_103 = arith.cmpi eq, %iota3A, %eq3A_102 : vector<16xi32>
    %select_n3A_104 = arith.select %eq3A_103, %get3A_100, %select_n3A_95 : vector<16xi1>, vector<16xf32>
    %get3A_105 = arith.constant 8 : i32
    %get3A_106 = arith.index_cast %get3A_105 : i32 to index
    %get3A_107 = arith.index_cast %multiple_of3A_37 : i32 to index
    %get3A_108 = tpu.vector_load %arg8[%get3A_106, %get3A_107] {strides = array<i32>} : memref<64x128xf32, #tpu.memory_space<vmem>>, vector<1x16xf32>,
    %get3A_109 = vector.shape_cast %get3A_108 : vector<1x16xf32> to vector<16xf32>
    %eq3A_110 = arith.constant 8 : i32
    %eq3A_111 = vector.broadcast %eq3A_110 : i32 to vector<16xi32>
    %eq3A_112 = arith.cmpi eq, %iota3A, %eq3A_111 : vector<16xi32>
    %select_n3A_113 = arith.select %eq3A_112, %get3A_109, %select_n3A_104 : vector<16xi1>, vector<16xf32>
    %get3A_114 = arith.constant 9 : i32
    %get3A_115 = arith.index_cast %get3A_114 : i32 to index
    %get3A_116 = arith.index_cast %multiple_of3A_37 : i32 to index
    %get3A_117 = tpu.vector_load %arg8[%get3A_115, %get3A_116] {strides = array<i32>} : memref<64x128xf32, #tpu.memory_space<vmem>>, vector<1x16xf32>,
    %get3A_118 = vector.shape_cast %get3A_117 : vector<1x16xf32> to vector<16xf32>
    %eq3A_119 = arith.constant 9 : i32
    %eq3A_120 = vector.broadcast %eq3A_119 : i32 to vector<16xi32>
    %eq3A_121 = arith.cmpi eq, %iota3A, %eq3A_120 : vector<16xi32>
    %select_n3A_122 = arith.select %eq3A_121, %get3A_118, %select_n3A_113 : vector<16xi1>, vector<16xf32>
    %get3A_123 = arith.constant 10 : i32
    %get3A_124 = arith.index_cast %get3A_123 : i32 to index
    %get3A_125 = arith.index_cast %multiple_of3A_37 : i32 to index
    %get3A_126 = tpu.vector_load %arg8[%get3A_124, %get3A_125] {strides = array<i32>} : memref<64x128xf32, #tpu.memory_space<vmem>>, vector<1x16xf32>,
    %get3A_127 = vector.shape_cast %get3A_126 : vector<1x16xf32> to vector<16xf32>
    %eq3A_128 = arith.constant 10 : i32
    %eq3A_129 = vector.broadcast %eq3A_128 : i32 to vector<16xi32>
    %eq3A_130 = arith.cmpi eq, %iota3A, %eq3A_129 : vector<16xi32>
    %select_n3A_131 = arith.select %eq3A_130, %get3A_127, %select_n3A_122 : vector<16xi1>, vector<16xf32>
    %get3A_132 = arith.constant 11 : i32
    %get3A_133 = arith.index_cast %get3A_132 : i32 to index
    %get3A_134 = arith.index_cast %multiple_of3A_37 : i32 to index
    %get3A_135 = tpu.vector_load %arg8[%get3A_133, %get3A_134] {strides = array<i32>} : memref<64x128xf32, #tpu.memory_space<vmem>>, vector<1x16xf32>,
    %get3A_136 = vector.shape_cast %get3A_135 : vector<1x16xf32> to vector<16xf32>
    %eq3A_137 = arith.constant 11 : i32
    %eq3A_138 = vector.broadcast %eq3A_137 : i32 to vector<16xi32>
    %eq3A_139 = arith.cmpi eq, %iota3A, %eq3A_138 : vector<16xi32>
    %select_n3A_140 = arith.select %eq3A_139, %get3A_136, %select_n3A_131 : vector<16xi1>, vector<16xf32>
    %get3A_141 = arith.constant 12 : i32
    %get3A_142 = arith.index_cast %get3A_141 : i32 to index
    %get3A_143 = arith.index_cast %multiple_of3A_37 : i32 to index
    %get3A_144 = tpu.vector_load %arg8[%get3A_142, %get3A_143] {strides = array<i32>} : memref<64x128xf32, #tpu.memory_space<vmem>>, vector<1x16xf32>,
    %get3A_145 = vector.shape_cast %get3A_144 : vector<1x16xf32> to vector<16xf32>
    %eq3A_146 = arith.constant 12 : i32
    %eq3A_147 = vector.broadcast %eq3A_146 : i32 to vector<16xi32>
    %eq3A_148 = arith.cmpi eq, %iota3A, %eq3A_147 : vector<16xi32>
    %select_n3A_149 = arith.select %eq3A_148, %get3A_145, %select_n3A_140 : vector<16xi1>, vector<16xf32>
    %get3A_150 = arith.constant 13 : i32
    %get3A_151 = arith.index_cast %get3A_150 : i32 to index
    %get3A_152 = arith.index_cast %multiple_of3A_37 : i32 to index
    %get3A_153 = tpu.vector_load %arg8[%get3A_151, %get3A_152] {strides = array<i32>} : memref<64x128xf32, #tpu.memory_space<vmem>>, vector<1x16xf32>,
    %get3A_154 = vector.shape_cast %get3A_153 : vector<1x16xf32> to vector<16xf32>
    %eq3A_155 = arith.constant 13 : i32
    %eq3A_156 = vector.broadcast %eq3A_155 : i32 to vector<16xi32>
    %eq3A_157 = arith.cmpi eq, %iota3A, %eq3A_156 : vector<16xi32>
    %select_n3A_158 = arith.select %eq3A_157, %get3A_154, %select_n3A_149 : vector<16xi1>, vector<16xf32>
    %get3A_159 = arith.constant 14 : i32
    %get3A_160 = arith.index_cast %get3A_159 : i32 to index
    %get3A_161 = arith.index_cast %multiple_of3A_37 : i32 to index
    %get3A_162 = tpu.vector_load %arg8[%get3A_160, %get3A_161] {strides = array<i32>} : memref<64x128xf32, #tpu.memory_space<vmem>>, vector<1x16xf32>,
    %get3A_163 = vector.shape_cast %get3A_162 : vector<1x16xf32> to vector<16xf32>
    %eq3A_164 = arith.constant 14 : i32
    %eq3A_165 = vector.broadcast %eq3A_164 : i32 to vector<16xi32>
    %eq3A_166 = arith.cmpi eq, %iota3A, %eq3A_165 : vector<16xi32>
    %select_n3A_167 = arith.select %eq3A_166, %get3A_163, %select_n3A_158 : vector<16xi1>, vector<16xf32>
    %get3A_168 = arith.constant 15 : i32
    %get3A_169 = arith.index_cast %get3A_168 : i32 to index
    %get3A_170 = arith.index_cast %multiple_of3A_37 : i32 to index
    %get3A_171 = tpu.vector_load %arg8[%get3A_169, %get3A_170] {strides = array<i32>} : memref<64x128xf32, #tpu.memory_space<vmem>>, vector<1x16xf32>,
    %get3A_172 = vector.shape_cast %get3A_171 : vector<1x16xf32> to vector<16xf32>
    %eq3A_173 = arith.constant 15 : i32
    %eq3A_174 = vector.broadcast %eq3A_173 : i32 to vector<16xi32>
    %eq3A_175 = arith.cmpi eq, %iota3A, %eq3A_174 : vector<16xi32>
    %select_n3A_176 = arith.select %eq3A_175, %get3A_172, %select_n3A_167 : vector<16xi1>, vector<16xf32>
    %mul3A_177 = arith.mulf %select_n3A_176, %get3A_35 : vector<16xf32>
    %add3A_178 = arith.addf %broadcast_in_dim3A_33, %mul3A_177 : vector<16xf32>
    %get3A_179 = arith.constant 16 : index
    %get3A_180 = tpu.vector_load %arg7[%get3A_179] {strides = array<i32>} : memref<64xf32, #tpu.memory_space<vmem>>, vector<16xf32>,
    %get3A_181 = vector.shape_cast %get3A_180 : vector<16xf32> to vector<16xf32>
    %add3A_182 = arith.constant 16 : i32
    %add3A_183 = arith.addi %sub3A_32, %add3A_182 : i32
    %multiple_of3A_184 = tpu.assume_multiple %add3A_183, 16 : i32
    %get3A_185 = arith.constant 16 : i32
    %get3A_186 = arith.index_cast %get3A_185 : i32 to index
    %get3A_187 = arith.index_cast %multiple_of3A_184 : i32 to index
    %get3A_188 = tpu.vector_load %arg8[%get3A_186, %get3A_187] {strides = array<i32>} : memref<64x128xf32, #tpu.memory_space<vmem>>, vector<1x16xf32>,
    %get3A_189 = vector.shape_cast %get3A_188 : vector<1x16xf32> to vector<16xf32>
    %get3A_190 = arith.constant 17 : i32
    %get3A_191 = arith.index_cast %get3A_190 : i32 to index
    %get3A_192 = arith.index_cast %multiple_of3A_184 : i32 to index
    %get3A_193 = tpu.vector_load %arg8[%get3A_191, %get3A_192] {strides = array<i32>} : memref<64x128xf32, #tpu.memory_space<vmem>>, vector<1x16xf32>,
    %get3A_194 = vector.shape_cast %get3A_193 : vector<1x16xf32> to vector<16xf32>
    %eq3A_195 = arith.constant 1 : i32
    %eq3A_196 = vector.broadcast %eq3A_195 : i32 to vector<16xi32>
    %eq3A_197 = arith.cmpi eq, %iota3A, %eq3A_196 : vector<16xi32>
    %select_n3A_198 = arith.select %eq3A_197, %get3A_194, %get3A_189 : vector<16xi1>, vector<16xf32>
    %get3A_199 = arith.constant 18 : i32
    %get3A_200 = arith.index_cast %get3A_199 : i32 to index
    %get3A_201 = arith.index_cast %multiple_of3A_184 : i32 to index
    %get3A_202 = tpu.vector_load %arg8[%get3A_200, %get3A_201] {strides = array<i32>} : memref<64x128xf32, #tpu.memory_space<vmem>>, vector<1x16xf32>,
    %get3A_203 = vector.shape_cast %get3A_202 : vector<1x16xf32> to vector<16xf32>
    %eq3A_204 = arith.constant 2 : i32
    %eq3A_205 = vector.broadcast %eq3A_204 : i32 to vector<16xi32>
    %eq3A_206 = arith.cmpi eq, %iota3A, %eq3A_205 : vector<16xi32>
    %select_n3A_207 = arith.select %eq3A_206, %get3A_203, %select_n3A_198 : vector<16xi1>, vector<16xf32>
    %get3A_208 = arith.constant 19 : i32
    %get3A_209 = arith.index_cast %get3A_208 : i32 to index
    %get3A_210 = arith.index_cast %multiple_of3A_184 : i32 to index
    %get3A_211 = tpu.vector_load %arg8[%get3A_209, %get3A_210] {strides = array<i32>} : memref<64x128xf32, #tpu.memory_space<vmem>>, vector<1x16xf32>,
    %get3A_212 = vector.shape_cast %get3A_211 : vector<1x16xf32> to vector<16xf32>
    %eq3A_213 = arith.constant 3 : i32
    %eq3A_214 = vector.broadcast %eq3A_213 : i32 to vector<16xi32>
    %eq3A_215 = arith.cmpi eq, %iota3A, %eq3A_214 : vector<16xi32>
    %select_n3A_216 = arith.select %eq3A_215, %get3A_212, %select_n3A_207 : vector<16xi1>, vector<16xf32>
    %get3A_217 = arith.constant 20 : i32
    %get3A_218 = arith.index_cast %get3A_217 : i32 to index
    %get3A_219 = arith.index_cast %multiple_of3A_184 : i32 to index
    %get3A_220 = tpu.vector_load %arg8[%get3A_218, %get3A_219] {strides = array<i32>} : memref<64x128xf32, #tpu.memory_space<vmem>>, vector<1x16xf32>,
    %get3A_221 = vector.shape_cast %get3A_220 : vector<1x16xf32> to vector<16xf32>
    %eq3A_222 = arith.constant 4 : i32
    %eq3A_223 = vector.broadcast %eq3A_222 : i32 to vector<16xi32>
    %eq3A_224 = arith.cmpi eq, %iota3A, %eq3A_223 : vector<16xi32>
    %select_n3A_225 = arith.select %eq3A_224, %get3A_221, %select_n3A_216 : vector<16xi1>, vector<16xf32>
    %get3A_226 = arith.constant 21 : i32
    %get3A_227 = arith.index_cast %get3A_226 : i32 to index
    %get3A_228 = arith.index_cast %multiple_of3A_184 : i32 to index
    %get3A_229 = tpu.vector_load %arg8[%get3A_227, %get3A_228] {strides = array<i32>} : memref<64x128xf32, #tpu.memory_space<vmem>>, vector<1x16xf32>,
    %get3A_230 = vector.shape_cast %get3A_229 : vector<1x16xf32> to vector<16xf32>
    %eq3A_231 = arith.constant 5 : i32
    %eq3A_232 = vector.broadcast %eq3A_231 : i32 to vector<16xi32>
    %eq3A_233 = arith.cmpi eq, %iota3A, %eq3A_232 : vector<16xi32>
    %select_n3A_234 = arith.select %eq3A_233, %get3A_230, %select_n3A_225 : vector<16xi1>, vector<16xf32>
    %get3A_235 = arith.constant 22 : i32
    %get3A_236 = arith.index_cast %get3A_235 : i32 to index
    %get3A_237 = arith.index_cast %multiple_of3A_184 : i32 to index
    %get3A_238 = tpu.vector_load %arg8[%get3A_236, %get3A_237] {strides = array<i32>} : memref<64x128xf32, #tpu.memory_space<vmem>>, vector<1x16xf32>,
    %get3A_239 = vector.shape_cast %get3A_238 : vector<1x16xf32> to vector<16xf32>
    %eq3A_240 = arith.constant 6 : i32
    %eq3A_241 = vector.broadcast %eq3A_240 : i32 to vector<16xi32>
    %eq3A_242 = arith.cmpi eq, %iota3A, %eq3A_241 : vector<16xi32>
    %select_n3A_243 = arith.select %eq3A_242, %get3A_239, %select_n3A_234 : vector<16xi1>, vector<16xf32>
    %get3A_244 = arith.constant 23 : i32
    %get3A_245 = arith.index_cast %get3A_244 : i32 to index
    %get3A_246 = arith.index_cast %multiple_of3A_184 : i32 to index
    %get3A_247 = tpu.vector_load %arg8[%get3A_245, %get3A_246] {strides = array<i32>} : memref<64x128xf32, #tpu.memory_space<vmem>>, vector<1x16xf32>,
    %get3A_248 = vector.shape_cast %get3A_247 : vector<1x16xf32> to vector<16xf32>
    %eq3A_249 = arith.constant 7 : i32
    %eq3A_250 = vector.broadcast %eq3A_249 : i32 to vector<16xi32>
    %eq3A_251 = arith.cmpi eq, %iota3A, %eq3A_250 : vector<16xi32>
    %select_n3A_252 = arith.select %eq3A_251, %get3A_248, %select_n3A_243 : vector<16xi1>, vector<16xf32>
    %get3A_253 = arith.constant 24 : i32
    %get3A_254 = arith.index_cast %get3A_253 : i32 to index
    %get3A_255 = arith.index_cast %multiple_of3A_184 : i32 to index
    %get3A_256 = tpu.vector_load %arg8[%get3A_254, %get3A_255] {strides = array<i32>} : memref<64x128xf32, #tpu.memory_space<vmem>>, vector<1x16xf32>,
    %get3A_257 = vector.shape_cast %get3A_256 : vector<1x16xf32> to vector<16xf32>
    %eq3A_258 = arith.constant 8 : i32
    %eq3A_259 = vector.broadcast %eq3A_258 : i32 to vector<16xi32>
    %eq3A_260 = arith.cmpi eq, %iota3A, %eq3A_259 : vector<16xi32>
    %select_n3A_261 = arith.select %eq3A_260, %get3A_257, %select_n3A_252 : vector<16xi1>, vector<16xf32>
    %get3A_262 = arith.constant 25 : i32
    %get3A_263 = arith.index_cast %get3A_262 : i32 to index
    %get3A_264 = arith.index_cast %multiple_of3A_184 : i32 to index
    %get3A_265 = tpu.vector_load %arg8[%get3A_263, %get3A_264] {strides = array<i32>} : memref<64x128xf32, #tpu.memory_space<vmem>>, vector<1x16xf32>,
    %get3A_266 = vector.shape_cast %get3A_265 : vector<1x16xf32> to vector<16xf32>
    %eq3A_267 = arith.constant 9 : i32
    %eq3A_268 = vector.broadcast %eq3A_267 : i32 to vector<16xi32>
    %eq3A_269 = arith.cmpi eq, %iota3A, %eq3A_268 : vector<16xi32>
    %select_n3A_270 = arith.select %eq3A_269, %get3A_266, %select_n3A_261 : vector<16xi1>, vector<16xf32>
    %get3A_271 = arith.constant 26 : i32
    %get3A_272 = arith.index_cast %get3A_271 : i32 to index
    %get3A_273 = arith.index_cast %multiple_of3A_184 : i32 to index
    %get3A_274 = tpu.vector_load %arg8[%get3A_272, %get3A_273] {strides = array<i32>} : memref<64x128xf32, #tpu.memory_space<vmem>>, vector<1x16xf32>,
    %get3A_275 = vector.shape_cast %get3A_274 : vector<1x16xf32> to vector<16xf32>
    %eq3A_276 = arith.constant 10 : i32
    %eq3A_277 = vector.broadcast %eq3A_276 : i32 to vector<16xi32>
    %eq3A_278 = arith.cmpi eq, %iota3A, %eq3A_277 : vector<16xi32>
    %select_n3A_279 = arith.select %eq3A_278, %get3A_275, %select_n3A_270 : vector<16xi1>, vector<16xf32>
    %get3A_280 = arith.constant 27 : i32
    %get3A_281 = arith.index_cast %get3A_280 : i32 to index
    %get3A_282 = arith.index_cast %multiple_of3A_184 : i32 to index
    %get3A_283 = tpu.vector_load %arg8[%get3A_281, %get3A_282] {strides = array<i32>} : memref<64x128xf32, #tpu.memory_space<vmem>>, vector<1x16xf32>,
    %get3A_284 = vector.shape_cast %get3A_283 : vector<1x16xf32> to vector<16xf32>
    %eq3A_285 = arith.constant 11 : i32
    %eq3A_286 = vector.broadcast %eq3A_285 : i32 to vector<16xi32>
    %eq3A_287 = arith.cmpi eq, %iota3A, %eq3A_286 : vector<16xi32>
    %select_n3A_288 = arith.select %eq3A_287, %get3A_284, %select_n3A_279 : vector<16xi1>, vector<16xf32>
    %get3A_289 = arith.constant 28 : i32
    %get3A_290 = arith.index_cast %get3A_289 : i32 to index
    %get3A_291 = arith.index_cast %multiple_of3A_184 : i32 to index
    %get3A_292 = tpu.vector_load %arg8[%get3A_290, %get3A_291] {strides = array<i32>} : memref<64x128xf32, #tpu.memory_space<vmem>>, vector<1x16xf32>,
    %get3A_293 = vector.shape_cast %get3A_292 : vector<1x16xf32> to vector<16xf32>
    %eq3A_294 = arith.constant 12 : i32
    %eq3A_295 = vector.broadcast %eq3A_294 : i32 to vector<16xi32>
    %eq3A_296 = arith.cmpi eq, %iota3A, %eq3A_295 : vector<16xi32>
    %select_n3A_297 = arith.select %eq3A_296, %get3A_293, %select_n3A_288 : vector<16xi1>, vector<16xf32>
    %get3A_298 = arith.constant 29 : i32
    %get3A_299 = arith.index_cast %get3A_298 : i32 to index
    %get3A_300 = arith.index_cast %multiple_of3A_184 : i32 to index
    %get3A_301 = tpu.vector_load %arg8[%get3A_299, %get3A_300] {strides = array<i32>} : memref<64x128xf32, #tpu.memory_space<vmem>>, vector<1x16xf32>,
    %get3A_302 = vector.shape_cast %get3A_301 : vector<1x16xf32> to vector<16xf32>
    %eq3A_303 = arith.constant 13 : i32
    %eq3A_304 = vector.broadcast %eq3A_303 : i32 to vector<16xi32>
    %eq3A_305 = arith.cmpi eq, %iota3A, %eq3A_304 : vector<16xi32>
    %select_n3A_306 = arith.select %eq3A_305, %get3A_302, %select_n3A_297 : vector<16xi1>, vector<16xf32>
    %get3A_307 = arith.constant 30 : i32
    %get3A_308 = arith.index_cast %get3A_307 : i32 to index
    %get3A_309 = arith.index_cast %multiple_of3A_184 : i32 to index
    %get3A_310 = tpu.vector_load %arg8[%get3A_308, %get3A_309] {strides = array<i32>} : memref<64x128xf32, #tpu.memory_space<vmem>>, vector<1x16xf32>,
    %get3A_311 = vector.shape_cast %get3A_310 : vector<1x16xf32> to vector<16xf32>
    %eq3A_312 = arith.constant 14 : i32
    %eq3A_313 = vector.broadcast %eq3A_312 : i32 to vector<16xi32>
    %eq3A_314 = arith.cmpi eq, %iota3A, %eq3A_313 : vector<16xi32>
    %select_n3A_315 = arith.select %eq3A_314, %get3A_311, %select_n3A_306 : vector<16xi1>, vector<16xf32>
    %get3A_316 = arith.constant 31 : i32
    %get3A_317 = arith.index_cast %get3A_316 : i32 to index
    %get3A_318 = arith.index_cast %multiple_of3A_184 : i32 to index
    %get3A_319 = tpu.vector_load %arg8[%get3A_317, %get3A_318] {strides = array<i32>} : memref<64x128xf32, #tpu.memory_space<vmem>>, vector<1x16xf32>,
    %get3A_320 = vector.shape_cast %get3A_319 : vector<1x16xf32> to vector<16xf32>
    %eq3A_321 = arith.constant 15 : i32
    %eq3A_322 = vector.broadcast %eq3A_321 : i32 to vector<16xi32>
    %eq3A_323 = arith.cmpi eq, %iota3A, %eq3A_322 : vector<16xi32>
    %select_n3A_324 = arith.select %eq3A_323, %get3A_320, %select_n3A_315 : vector<16xi1>, vector<16xf32>
    %mul3A_325 = arith.mulf %select_n3A_324, %get3A_181 : vector<16xf32>
    %add3A_326 = arith.addf %add3A_178, %mul3A_325 : vector<16xf32>
    %get3A_327 = arith.constant 32 : index
    %get3A_328 = tpu.vector_load %arg7[%get3A_327] {strides = array<i32>} : memref<64xf32, #tpu.memory_space<vmem>>, vector<16xf32>,
    %get3A_329 = vector.shape_cast %get3A_328 : vector<16xf32> to vector<16xf32>
    %add3A_330 = arith.constant 32 : i32
    %add3A_331 = arith.addi %sub3A_32, %add3A_330 : i32
    %multiple_of3A_332 = tpu.assume_multiple %add3A_331, 16 : i32
    %get3A_333 = arith.constant 32 : i32
    %get3A_334 = arith.index_cast %get3A_333 : i32 to index
    %get3A_335 = arith.index_cast %multiple_of3A_332 : i32 to index
    %get3A_336 = tpu.vector_load %arg8[%get3A_334, %get3A_335] {strides = array<i32>} : memref<64x128xf32, #tpu.memory_space<vmem>>, vector<1x16xf32>,
    %get3A_337 = vector.shape_cast %get3A_336 : vector<1x16xf32> to vector<16xf32>
    %get3A_338 = arith.constant 33 : i32
    %get3A_339 = arith.index_cast %get3A_338 : i32 to index
    %get3A_340 = arith.index_cast %multiple_of3A_332 : i32 to index
    %get3A_341 = tpu.vector_load %arg8[%get3A_339, %get3A_340] {strides = array<i32>} : memref<64x128xf32, #tpu.memory_space<vmem>>, vector<1x16xf32>,
    %get3A_342 = vector.shape_cast %get3A_341 : vector<1x16xf32> to vector<16xf32>
    %eq3A_343 = arith.constant 1 : i32
    %eq3A_344 = vector.broadcast %eq3A_343 : i32 to vector<16xi32>
    %eq3A_345 = arith.cmpi eq, %iota3A, %eq3A_344 : vector<16xi32>
    %select_n3A_346 = arith.select %eq3A_345, %get3A_342, %get3A_337 : vector<16xi1>, vector<16xf32>
    %get3A_347 = arith.constant 34 : i32
    %get3A_348 = arith.index_cast %get3A_347 : i32 to index
    %get3A_349 = arith.index_cast %multiple_of3A_332 : i32 to index
    %get3A_350 = tpu.vector_load %arg8[%get3A_348, %get3A_349] {strides = array<i32>} : memref<64x128xf32, #tpu.memory_space<vmem>>, vector<1x16xf32>,
    %get3A_351 = vector.shape_cast %get3A_350 : vector<1x16xf32> to vector<16xf32>
    %eq3A_352 = arith.constant 2 : i32
    %eq3A_353 = vector.broadcast %eq3A_352 : i32 to vector<16xi32>
    %eq3A_354 = arith.cmpi eq, %iota3A, %eq3A_353 : vector<16xi32>
    %select_n3A_355 = arith.select %eq3A_354, %get3A_351, %select_n3A_346 : vector<16xi1>, vector<16xf32>
    %get3A_356 = arith.constant 35 : i32
    %get3A_357 = arith.index_cast %get3A_356 : i32 to index
    %get3A_358 = arith.index_cast %multiple_of3A_332 : i32 to index
    %get3A_359 = tpu.vector_load %arg8[%get3A_357, %get3A_358] {strides = array<i32>} : memref<64x128xf32, #tpu.memory_space<vmem>>, vector<1x16xf32>,
    %get3A_360 = vector.shape_cast %get3A_359 : vector<1x16xf32> to vector<16xf32>
    %eq3A_361 = arith.constant 3 : i32
    %eq3A_362 = vector.broadcast %eq3A_361 : i32 to vector<16xi32>
    %eq3A_363 = arith.cmpi eq, %iota3A, %eq3A_362 : vector<16xi32>
    %select_n3A_364 = arith.select %eq3A_363, %get3A_360, %select_n3A_355 : vector<16xi1>, vector<16xf32>
    %get3A_365 = arith.constant 36 : i32
    %get3A_366 = arith.index_cast %get3A_365 : i32 to index
    %get3A_367 = arith.index_cast %multiple_of3A_332 : i32 to index
    %get3A_368 = tpu.vector_load %arg8[%get3A_366, %get3A_367] {strides = array<i32>} : memref<64x128xf32, #tpu.memory_space<vmem>>, vector<1x16xf32>,
    %get3A_369 = vector.shape_cast %get3A_368 : vector<1x16xf32> to vector<16xf32>
    %eq3A_370 = arith.constant 4 : i32
    %eq3A_371 = vector.broadcast %eq3A_370 : i32 to vector<16xi32>
    %eq3A_372 = arith.cmpi eq, %iota3A, %eq3A_371 : vector<16xi32>
    %select_n3A_373 = arith.select %eq3A_372, %get3A_369, %select_n3A_364 : vector<16xi1>, vector<16xf32>
    %get3A_374 = arith.constant 37 : i32
    %get3A_375 = arith.index_cast %get3A_374 : i32 to index
    %get3A_376 = arith.index_cast %multiple_of3A_332 : i32 to index
    %get3A_377 = tpu.vector_load %arg8[%get3A_375, %get3A_376] {strides = array<i32>} : memref<64x128xf32, #tpu.memory_space<vmem>>, vector<1x16xf32>,
    %get3A_378 = vector.shape_cast %get3A_377 : vector<1x16xf32> to vector<16xf32>
    %eq3A_379 = arith.constant 5 : i32
    %eq3A_380 = vector.broadcast %eq3A_379 : i32 to vector<16xi32>
    %eq3A_381 = arith.cmpi eq, %iota3A, %eq3A_380 : vector<16xi32>
    %select_n3A_382 = arith.select %eq3A_381, %get3A_378, %select_n3A_373 : vector<16xi1>, vector<16xf32>
    %get3A_383 = arith.constant 38 : i32
    %get3A_384 = arith.index_cast %get3A_383 : i32 to index
    %get3A_385 = arith.index_cast %multiple_of3A_332 : i32 to index
    %get3A_386 = tpu.vector_load %arg8[%get3A_384, %get3A_385] {strides = array<i32>} : memref<64x128xf32, #tpu.memory_space<vmem>>, vector<1x16xf32>,
    %get3A_387 = vector.shape_cast %get3A_386 : vector<1x16xf32> to vector<16xf32>
    %eq3A_388 = arith.constant 6 : i32
    %eq3A_389 = vector.broadcast %eq3A_388 : i32 to vector<16xi32>
    %eq3A_390 = arith.cmpi eq, %iota3A, %eq3A_389 : vector<16xi32>
    %select_n3A_391 = arith.select %eq3A_390, %get3A_387, %select_n3A_382 : vector<16xi1>, vector<16xf32>
    %get3A_392 = arith.constant 39 : i32
    %get3A_393 = arith.index_cast %get3A_392 : i32 to index
    %get3A_394 = arith.index_cast %multiple_of3A_332 : i32 to index
    %get3A_395 = tpu.vector_load %arg8[%get3A_393, %get3A_394] {strides = array<i32>} : memref<64x128xf32, #tpu.memory_space<vmem>>, vector<1x16xf32>,
    %get3A_396 = vector.shape_cast %get3A_395 : vector<1x16xf32> to vector<16xf32>
    %eq3A_397 = arith.constant 7 : i32
    %eq3A_398 = vector.broadcast %eq3A_397 : i32 to vector<16xi32>
    %eq3A_399 = arith.cmpi eq, %iota3A, %eq3A_398 : vector<16xi32>
    %select_n3A_400 = arith.select %eq3A_399, %get3A_396, %select_n3A_391 : vector<16xi1>, vector<16xf32>
    %get3A_401 = arith.constant 40 : i32
    %get3A_402 = arith.index_cast %get3A_401 : i32 to index
    %get3A_403 = arith.index_cast %multiple_of3A_332 : i32 to index
    %get3A_404 = tpu.vector_load %arg8[%get3A_402, %get3A_403] {strides = array<i32>} : memref<64x128xf32, #tpu.memory_space<vmem>>, vector<1x16xf32>,
    %get3A_405 = vector.shape_cast %get3A_404 : vector<1x16xf32> to vector<16xf32>
    %eq3A_406 = arith.constant 8 : i32
    %eq3A_407 = vector.broadcast %eq3A_406 : i32 to vector<16xi32>
    %eq3A_408 = arith.cmpi eq, %iota3A, %eq3A_407 : vector<16xi32>
    %select_n3A_409 = arith.select %eq3A_408, %get3A_405, %select_n3A_400 : vector<16xi1>, vector<16xf32>
    %get3A_410 = arith.constant 41 : i32
    %get3A_411 = arith.index_cast %get3A_410 : i32 to index
    %get3A_412 = arith.index_cast %multiple_of3A_332 : i32 to index
    %get3A_413 = tpu.vector_load %arg8[%get3A_411, %get3A_412] {strides = array<i32>} : memref<64x128xf32, #tpu.memory_space<vmem>>, vector<1x16xf32>,
    %get3A_414 = vector.shape_cast %get3A_413 : vector<1x16xf32> to vector<16xf32>
    %eq3A_415 = arith.constant 9 : i32
    %eq3A_416 = vector.broadcast %eq3A_415 : i32 to vector<16xi32>
    %eq3A_417 = arith.cmpi eq, %iota3A, %eq3A_416 : vector<16xi32>
    %select_n3A_418 = arith.select %eq3A_417, %get3A_414, %select_n3A_409 : vector<16xi1>, vector<16xf32>
    %get3A_419 = arith.constant 42 : i32
    %get3A_420 = arith.index_cast %get3A_419 : i32 to index
    %get3A_421 = arith.index_cast %multiple_of3A_332 : i32 to index
    %get3A_422 = tpu.vector_load %arg8[%get3A_420, %get3A_421] {strides = array<i32>} : memref<64x128xf32, #tpu.memory_space<vmem>>, vector<1x16xf32>,
    %get3A_423 = vector.shape_cast %get3A_422 : vector<1x16xf32> to vector<16xf32>
    %eq3A_424 = arith.constant 10 : i32
    %eq3A_425 = vector.broadcast %eq3A_424 : i32 to vector<16xi32>
    %eq3A_426 = arith.cmpi eq, %iota3A, %eq3A_425 : vector<16xi32>
    %select_n3A_427 = arith.select %eq3A_426, %get3A_423, %select_n3A_418 : vector<16xi1>, vector<16xf32>
    %get3A_428 = arith.constant 43 : i32
    %get3A_429 = arith.index_cast %get3A_428 : i32 to index
    %get3A_430 = arith.index_cast %multiple_of3A_332 : i32 to index
    %get3A_431 = tpu.vector_load %arg8[%get3A_429, %get3A_430] {strides = array<i32>} : memref<64x128xf32, #tpu.memory_space<vmem>>, vector<1x16xf32>,
    %get3A_432 = vector.shape_cast %get3A_431 : vector<1x16xf32> to vector<16xf32>
    %eq3A_433 = arith.constant 11 : i32
    %eq3A_434 = vector.broadcast %eq3A_433 : i32 to vector<16xi32>
    %eq3A_435 = arith.cmpi eq, %iota3A, %eq3A_434 : vector<16xi32>
    %select_n3A_436 = arith.select %eq3A_435, %get3A_432, %select_n3A_427 : vector<16xi1>, vector<16xf32>
    %get3A_437 = arith.constant 44 : i32
    %get3A_438 = arith.index_cast %get3A_437 : i32 to index
    %get3A_439 = arith.index_cast %multiple_of3A_332 : i32 to index
    %get3A_440 = tpu.vector_load %arg8[%get3A_438, %get3A_439] {strides = array<i32>} : memref<64x128xf32, #tpu.memory_space<vmem>>, vector<1x16xf32>,
    %get3A_441 = vector.shape_cast %get3A_440 : vector<1x16xf32> to vector<16xf32>
    %eq3A_442 = arith.constant 12 : i32
    %eq3A_443 = vector.broadcast %eq3A_442 : i32 to vector<16xi32>
    %eq3A_444 = arith.cmpi eq, %iota3A, %eq3A_443 : vector<16xi32>
    %select_n3A_445 = arith.select %eq3A_444, %get3A_441, %select_n3A_436 : vector<16xi1>, vector<16xf32>
    %get3A_446 = arith.constant 45 : i32
    %get3A_447 = arith.index_cast %get3A_446 : i32 to index
    %get3A_448 = arith.index_cast %multiple_of3A_332 : i32 to index
    %get3A_449 = tpu.vector_load %arg8[%get3A_447, %get3A_448] {strides = array<i32>} : memref<64x128xf32, #tpu.memory_space<vmem>>, vector<1x16xf32>,
    %get3A_450 = vector.shape_cast %get3A_449 : vector<1x16xf32> to vector<16xf32>
    %eq3A_451 = arith.constant 13 : i32
    %eq3A_452 = vector.broadcast %eq3A_451 : i32 to vector<16xi32>
    %eq3A_453 = arith.cmpi eq, %iota3A, %eq3A_452 : vector<16xi32>
    %select_n3A_454 = arith.select %eq3A_453, %get3A_450, %select_n3A_445 : vector<16xi1>, vector<16xf32>
    %get3A_455 = arith.constant 46 : i32
    %get3A_456 = arith.index_cast %get3A_455 : i32 to index
    %get3A_457 = arith.index_cast %multiple_of3A_332 : i32 to index
    %get3A_458 = tpu.vector_load %arg8[%get3A_456, %get3A_457] {strides = array<i32>} : memref<64x128xf32, #tpu.memory_space<vmem>>, vector<1x16xf32>,
    %get3A_459 = vector.shape_cast %get3A_458 : vector<1x16xf32> to vector<16xf32>
    %eq3A_460 = arith.constant 14 : i32
    %eq3A_461 = vector.broadcast %eq3A_460 : i32 to vector<16xi32>
    %eq3A_462 = arith.cmpi eq, %iota3A, %eq3A_461 : vector<16xi32>
    %select_n3A_463 = arith.select %eq3A_462, %get3A_459, %select_n3A_454 : vector<16xi1>, vector<16xf32>
    %get3A_464 = arith.constant 47 : i32
    %get3A_465 = arith.index_cast %get3A_464 : i32 to index
    %get3A_466 = arith.index_cast %multiple_of3A_332 : i32 to index
    %get3A_467 = tpu.vector_load %arg8[%get3A_465, %get3A_466] {strides = array<i32>} : memref<64x128xf32, #tpu.memory_space<vmem>>, vector<1x16xf32>,
    %get3A_468 = vector.shape_cast %get3A_467 : vector<1x16xf32> to vector<16xf32>
    %eq3A_469 = arith.constant 15 : i32
    %eq3A_470 = vector.broadcast %eq3A_469 : i32 to vector<16xi32>
    %eq3A_471 = arith.cmpi eq, %iota3A, %eq3A_470 : vector<16xi32>
    %select_n3A_472 = arith.select %eq3A_471, %get3A_468, %select_n3A_463 : vector<16xi1>, vector<16xf32>
    %mul3A_473 = arith.mulf %select_n3A_472, %get3A_329 : vector<16xf32>
    %add3A_474 = arith.addf %add3A_326, %mul3A_473 : vector<16xf32>
    %get3A_475 = arith.constant 48 : index
    %get3A_476 = tpu.vector_load %arg7[%get3A_475] {strides = array<i32>} : memref<64xf32, #tpu.memory_space<vmem>>, vector<16xf32>,
    %get3A_477 = vector.shape_cast %get3A_476 : vector<16xf32> to vector<16xf32>
    %add3A_478 = arith.constant 48 : i32
    %add3A_479 = arith.addi %sub3A_32, %add3A_478 : i32
    %multiple_of3A_480 = tpu.assume_multiple %add3A_479, 16 : i32
    %get3A_481 = arith.constant 48 : i32
    %get3A_482 = arith.index_cast %get3A_481 : i32 to index
    %get3A_483 = arith.index_cast %multiple_of3A_480 : i32 to index
    %get3A_484 = tpu.vector_load %arg8[%get3A_482, %get3A_483] {strides = array<i32>} : memref<64x128xf32, #tpu.memory_space<vmem>>, vector<1x16xf32>,
    %get3A_485 = vector.shape_cast %get3A_484 : vector<1x16xf32> to vector<16xf32>
    %get3A_486 = arith.constant 49 : i32
    %get3A_487 = arith.index_cast %get3A_486 : i32 to index
    %get3A_488 = arith.index_cast %multiple_of3A_480 : i32 to index
    %get3A_489 = tpu.vector_load %arg8[%get3A_487, %get3A_488] {strides = array<i32>} : memref<64x128xf32, #tpu.memory_space<vmem>>, vector<1x16xf32>,
    %get3A_490 = vector.shape_cast %get3A_489 : vector<1x16xf32> to vector<16xf32>
    %eq3A_491 = arith.constant 1 : i32
    %eq3A_492 = vector.broadcast %eq3A_491 : i32 to vector<16xi32>
    %eq3A_493 = arith.cmpi eq, %iota3A, %eq3A_492 : vector<16xi32>
    %select_n3A_494 = arith.select %eq3A_493, %get3A_490, %get3A_485 : vector<16xi1>, vector<16xf32>
    %get3A_495 = arith.constant 50 : i32
    %get3A_496 = arith.index_cast %get3A_495 : i32 to index
    %get3A_497 = arith.index_cast %multiple_of3A_480 : i32 to index
    %get3A_498 = tpu.vector_load %arg8[%get3A_496, %get3A_497] {strides = array<i32>} : memref<64x128xf32, #tpu.memory_space<vmem>>, vector<1x16xf32>,
    %get3A_499 = vector.shape_cast %get3A_498 : vector<1x16xf32> to vector<16xf32>
    %eq3A_500 = arith.constant 2 : i32
    %eq3A_501 = vector.broadcast %eq3A_500 : i32 to vector<16xi32>
    %eq3A_502 = arith.cmpi eq, %iota3A, %eq3A_501 : vector<16xi32>
    %select_n3A_503 = arith.select %eq3A_502, %get3A_499, %select_n3A_494 : vector<16xi1>, vector<16xf32>
    %get3A_504 = arith.constant 51 : i32
    %get3A_505 = arith.index_cast %get3A_504 : i32 to index
    %get3A_506 = arith.index_cast %multiple_of3A_480 : i32 to index
    %get3A_507 = tpu.vector_load %arg8[%get3A_505, %get3A_506] {strides = array<i32>} : memref<64x128xf32, #tpu.memory_space<vmem>>, vector<1x16xf32>,
    %get3A_508 = vector.shape_cast %get3A_507 : vector<1x16xf32> to vector<16xf32>
    %eq3A_509 = arith.constant 3 : i32
    %eq3A_510 = vector.broadcast %eq3A_509 : i32 to vector<16xi32>
    %eq3A_511 = arith.cmpi eq, %iota3A, %eq3A_510 : vector<16xi32>
    %select_n3A_512 = arith.select %eq3A_511, %get3A_508, %select_n3A_503 : vector<16xi1>, vector<16xf32>
    %get3A_513 = arith.constant 52 : i32
    %get3A_514 = arith.index_cast %get3A_513 : i32 to index
    %get3A_515 = arith.index_cast %multiple_of3A_480 : i32 to index
    %get3A_516 = tpu.vector_load %arg8[%get3A_514, %get3A_515] {strides = array<i32>} : memref<64x128xf32, #tpu.memory_space<vmem>>, vector<1x16xf32>,
    %get3A_517 = vector.shape_cast %get3A_516 : vector<1x16xf32> to vector<16xf32>
    %eq3A_518 = arith.constant 4 : i32
    %eq3A_519 = vector.broadcast %eq3A_518 : i32 to vector<16xi32>
    %eq3A_520 = arith.cmpi eq, %iota3A, %eq3A_519 : vector<16xi32>
    %select_n3A_521 = arith.select %eq3A_520, %get3A_517, %select_n3A_512 : vector<16xi1>, vector<16xf32>
    %get3A_522 = arith.constant 53 : i32
    %get3A_523 = arith.index_cast %get3A_522 : i32 to index
    %get3A_524 = arith.index_cast %multiple_of3A_480 : i32 to index
    %get3A_525 = tpu.vector_load %arg8[%get3A_523, %get3A_524] {strides = array<i32>} : memref<64x128xf32, #tpu.memory_space<vmem>>, vector<1x16xf32>,
    %get3A_526 = vector.shape_cast %get3A_525 : vector<1x16xf32> to vector<16xf32>
    %eq3A_527 = arith.constant 5 : i32
    %eq3A_528 = vector.broadcast %eq3A_527 : i32 to vector<16xi32>
    %eq3A_529 = arith.cmpi eq, %iota3A, %eq3A_528 : vector<16xi32>
    %select_n3A_530 = arith.select %eq3A_529, %get3A_526, %select_n3A_521 : vector<16xi1>, vector<16xf32>
    %get3A_531 = arith.constant 54 : i32
    %get3A_532 = arith.index_cast %get3A_531 : i32 to index
    %get3A_533 = arith.index_cast %multiple_of3A_480 : i32 to index
    %get3A_534 = tpu.vector_load %arg8[%get3A_532, %get3A_533] {strides = array<i32>} : memref<64x128xf32, #tpu.memory_space<vmem>>, vector<1x16xf32>,
    %get3A_535 = vector.shape_cast %get3A_534 : vector<1x16xf32> to vector<16xf32>
    %eq3A_536 = arith.constant 6 : i32
    %eq3A_537 = vector.broadcast %eq3A_536 : i32 to vector<16xi32>
    %eq3A_538 = arith.cmpi eq, %iota3A, %eq3A_537 : vector<16xi32>
    %select_n3A_539 = arith.select %eq3A_538, %get3A_535, %select_n3A_530 : vector<16xi1>, vector<16xf32>
    %get3A_540 = arith.constant 55 : i32
    %get3A_541 = arith.index_cast %get3A_540 : i32 to index
    %get3A_542 = arith.index_cast %multiple_of3A_480 : i32 to index
    %get3A_543 = tpu.vector_load %arg8[%get3A_541, %get3A_542] {strides = array<i32>} : memref<64x128xf32, #tpu.memory_space<vmem>>, vector<1x16xf32>,
    %get3A_544 = vector.shape_cast %get3A_543 : vector<1x16xf32> to vector<16xf32>
    %eq3A_545 = arith.constant 7 : i32
    %eq3A_546 = vector.broadcast %eq3A_545 : i32 to vector<16xi32>
    %eq3A_547 = arith.cmpi eq, %iota3A, %eq3A_546 : vector<16xi32>
    %select_n3A_548 = arith.select %eq3A_547, %get3A_544, %select_n3A_539 : vector<16xi1>, vector<16xf32>
    %get3A_549 = arith.constant 56 : i32
    %get3A_550 = arith.index_cast %get3A_549 : i32 to index
    %get3A_551 = arith.index_cast %multiple_of3A_480 : i32 to index
    %get3A_552 = tpu.vector_load %arg8[%get3A_550, %get3A_551] {strides = array<i32>} : memref<64x128xf32, #tpu.memory_space<vmem>>, vector<1x16xf32>,
    %get3A_553 = vector.shape_cast %get3A_552 : vector<1x16xf32> to vector<16xf32>
    %eq3A_554 = arith.constant 8 : i32
    %eq3A_555 = vector.broadcast %eq3A_554 : i32 to vector<16xi32>
    %eq3A_556 = arith.cmpi eq, %iota3A, %eq3A_555 : vector<16xi32>
    %select_n3A_557 = arith.select %eq3A_556, %get3A_553, %select_n3A_548 : vector<16xi1>, vector<16xf32>
    %get3A_558 = arith.constant 57 : i32
    %get3A_559 = arith.index_cast %get3A_558 : i32 to index
    %get3A_560 = arith.index_cast %multiple_of3A_480 : i32 to index
    %get3A_561 = tpu.vector_load %arg8[%get3A_559, %get3A_560] {strides = array<i32>} : memref<64x128xf32, #tpu.memory_space<vmem>>, vector<1x16xf32>,
    %get3A_562 = vector.shape_cast %get3A_561 : vector<1x16xf32> to vector<16xf32>
    %eq3A_563 = arith.constant 9 : i32
    %eq3A_564 = vector.broadcast %eq3A_563 : i32 to vector<16xi32>
    %eq3A_565 = arith.cmpi eq, %iota3A, %eq3A_564 : vector<16xi32>
    %select_n3A_566 = arith.select %eq3A_565, %get3A_562, %select_n3A_557 : vector<16xi1>, vector<16xf32>
    %get3A_567 = arith.constant 58 : i32
    %get3A_568 = arith.index_cast %get3A_567 : i32 to index
    %get3A_569 = arith.index_cast %multiple_of3A_480 : i32 to index
    %get3A_570 = tpu.vector_load %arg8[%get3A_568, %get3A_569] {strides = array<i32>} : memref<64x128xf32, #tpu.memory_space<vmem>>, vector<1x16xf32>,
    %get3A_571 = vector.shape_cast %get3A_570 : vector<1x16xf32> to vector<16xf32>
    %eq3A_572 = arith.constant 10 : i32
    %eq3A_573 = vector.broadcast %eq3A_572 : i32 to vector<16xi32>
    %eq3A_574 = arith.cmpi eq, %iota3A, %eq3A_573 : vector<16xi32>
    %select_n3A_575 = arith.select %eq3A_574, %get3A_571, %select_n3A_566 : vector<16xi1>, vector<16xf32>
    %get3A_576 = arith.constant 59 : i32
    %get3A_577 = arith.index_cast %get3A_576 : i32 to index
    %get3A_578 = arith.index_cast %multiple_of3A_480 : i32 to index
    %get3A_579 = tpu.vector_load %arg8[%get3A_577, %get3A_578] {strides = array<i32>} : memref<64x128xf32, #tpu.memory_space<vmem>>, vector<1x16xf32>,
    %get3A_580 = vector.shape_cast %get3A_579 : vector<1x16xf32> to vector<16xf32>
    %eq3A_581 = arith.constant 11 : i32
    %eq3A_582 = vector.broadcast %eq3A_581 : i32 to vector<16xi32>
    %eq3A_583 = arith.cmpi eq, %iota3A, %eq3A_582 : vector<16xi32>
    %select_n3A_584 = arith.select %eq3A_583, %get3A_580, %select_n3A_575 : vector<16xi1>, vector<16xf32>
    %get3A_585 = arith.constant 60 : i32
    %get3A_586 = arith.index_cast %get3A_585 : i32 to index
    %get3A_587 = arith.index_cast %multiple_of3A_480 : i32 to index
    %get3A_588 = tpu.vector_load %arg8[%get3A_586, %get3A_587] {strides = array<i32>} : memref<64x128xf32, #tpu.memory_space<vmem>>, vector<1x16xf32>,
    %get3A_589 = vector.shape_cast %get3A_588 : vector<1x16xf32> to vector<16xf32>
    %eq3A_590 = arith.constant 12 : i32
    %eq3A_591 = vector.broadcast %eq3A_590 : i32 to vector<16xi32>
    %eq3A_592 = arith.cmpi eq, %iota3A, %eq3A_591 : vector<16xi32>
    %select_n3A_593 = arith.select %eq3A_592, %get3A_589, %select_n3A_584 : vector<16xi1>, vector<16xf32>
    %get3A_594 = arith.constant 61 : i32
    %get3A_595 = arith.index_cast %get3A_594 : i32 to index
    %get3A_596 = arith.index_cast %multiple_of3A_480 : i32 to index
    %get3A_597 = tpu.vector_load %arg8[%get3A_595, %get3A_596] {strides = array<i32>} : memref<64x128xf32, #tpu.memory_space<vmem>>, vector<1x16xf32>,
    %get3A_598 = vector.shape_cast %get3A_597 : vector<1x16xf32> to vector<16xf32>
    %eq3A_599 = arith.constant 13 : i32
    %eq3A_600 = vector.broadcast %eq3A_599 : i32 to vector<16xi32>
    %eq3A_601 = arith.cmpi eq, %iota3A, %eq3A_600 : vector<16xi32>
    %select_n3A_602 = arith.select %eq3A_601, %get3A_598, %select_n3A_593 : vector<16xi1>, vector<16xf32>
    %get3A_603 = arith.constant 62 : i32
    %get3A_604 = arith.index_cast %get3A_603 : i32 to index
    %get3A_605 = arith.index_cast %multiple_of3A_480 : i32 to index
    %get3A_606 = tpu.vector_load %arg8[%get3A_604, %get3A_605] {strides = array<i32>} : memref<64x128xf32, #tpu.memory_space<vmem>>, vector<1x16xf32>,
    %get3A_607 = vector.shape_cast %get3A_606 : vector<1x16xf32> to vector<16xf32>
    %eq3A_608 = arith.constant 14 : i32
    %eq3A_609 = vector.broadcast %eq3A_608 : i32 to vector<16xi32>
    %eq3A_610 = arith.cmpi eq, %iota3A, %eq3A_609 : vector<16xi32>
    %select_n3A_611 = arith.select %eq3A_610, %get3A_607, %select_n3A_602 : vector<16xi1>, vector<16xf32>
    %get3A_612 = arith.constant 63 : i32
    %get3A_613 = arith.index_cast %get3A_612 : i32 to index
    %get3A_614 = arith.index_cast %multiple_of3A_480 : i32 to index
    %get3A_615 = tpu.vector_load %arg8[%get3A_613, %get3A_614] {strides = array<i32>} : memref<64x128xf32, #tpu.memory_space<vmem>>, vector<1x16xf32>,
    %get3A_616 = vector.shape_cast %get3A_615 : vector<1x16xf32> to vector<16xf32>
    %eq3A_617 = arith.constant 15 : i32
    %eq3A_618 = vector.broadcast %eq3A_617 : i32 to vector<16xi32>
    %eq3A_619 = arith.cmpi eq, %iota3A, %eq3A_618 : vector<16xi32>
    %select_n3A_620 = arith.select %eq3A_619, %get3A_616, %select_n3A_611 : vector<16xi1>, vector<16xf32>
    %mul3A_621 = arith.mulf %select_n3A_620, %get3A_477 : vector<16xf32>
    %add3A_622 = arith.addf %add3A_474, %mul3A_621 : vector<16xf32>
    %swap3A = arith.constant 0 : index
    %swap3A_623 = tpu.vector_load %arg9[%swap3A] {strides = array<i32>} : memref<16xf32, #tpu.memory_space<vmem>>, vector<16xf32>,
    %swap3A_624 = vector.shape_cast %swap3A_623 : vector<16xf32> to vector<16xf32>
    %swap3A_625 = vector.shape_cast %add3A_622 : vector<16xf32> to vector<16xf32>
    tpu.vector_store %arg9[%swap3A], %swap3A_625 {strides = array<i32>} : memref<16xf32, #tpu.memory_space<vmem>>, vector<16xf32>,
    %mul3A_626 = arith.constant 16 : i32
    %mul3A_627 = arith.muli %arg1, %mul3A_626 : i32
    "tpu.region"() ({
      %run_scoped3A = tpu.sem_alloc : memref<!tpu.dma_semaphore, #tpu.memory_space<semaphore_mem>>
      %dma_start3A_631 = tpu.memref_slice %arg11[%mul3A_627] : memref<256xf32, #tpu.memory_space<vmem_shared>> -> memref<16xf32, #tpu.memory_space<vmem_shared>>
      %dma_start3A_632 = tpu.memref_slice %arg11[%mul3A_627] : memref<256xf32, #tpu.memory_space<vmem_shared>> -> memref<16xf32, #tpu.memory_space<vmem_shared>>
      tpu.enqueue_dma source(%arg9 : memref<16xf32, #tpu.memory_space<vmem>>) target(%dma_start3A_632 : memref<16xf32, #tpu.memory_space<vmem_shared>>) target_semaphore(%run_scoped3A : memref<!tpu.dma_semaphore, #tpu.memory_space<semaphore_mem>>)
      %dma_wait3A_633 = tpu.memref_slice %arg11[%mul3A_627] : memref<256xf32, #tpu.memory_space<vmem_shared>> -> memref<16xf32, #tpu.memory_space<vmem_shared>>
      %dma_wait3A_634 = tpu.memref_slice %arg11[%mul3A_627] : memref<256xf32, #tpu.memory_space<vmem_shared>> -> memref<16xf32, #tpu.memory_space<vmem_shared>>
      tpu.wait_dma2 semaphore(%run_scoped3A : memref<!tpu.dma_semaphore, #tpu.memory_space<semaphore_mem>>) src(%arg9 : memref<16xf32, #tpu.memory_space<vmem>>) dst(%dma_wait3A_634 : memref<16xf32, #tpu.memory_space<vmem_shared>>)
      tpu.yield
    }) : () -> ()
    %barrier3A = arith.constant 0 : index
    tpu.barrier barrier_id(%barrier3A)
    %eq3A_628 = arith.constant 0 : i32
    %eq3A_629 = arith.cmpi eq, %arg1, %eq3A_628 : i32
    %convert_element_type3A = arith.extui %eq3A_629 : i1 to i32
    %cond3A = arith.constant 0 : i32
    %cond3A_630 = arith.cmpi ne, %convert_element_type3A, %cond3A : i32
    scf.if %cond3A_630 {
      "tpu.region"() ({
        %run_scoped3A = tpu.sem_alloc : memref<!tpu.dma_semaphore, #tpu.memory_space<semaphore_mem>>
        tpu.enqueue_dma source(%arg11 : memref<256xf32, #tpu.memory_space<vmem_shared>>) target(%arg10 : memref<256xf32, #tpu.memory_space<vmem>>) target_semaphore(%run_scoped3A : memref<!tpu.dma_semaphore, #tpu.memory_space<semaphore_mem>>)
        tpu.wait_dma2 semaphore(%run_scoped3A : memref<!tpu.dma_semaphore, #tpu.memory_space<semaphore_mem>>) src(%arg11 : memref<256xf32, #tpu.memory_space<vmem_shared>>) dst(%arg10 : memref<256xf32, #tpu.memory_space<vmem>>)
        tpu.yield
      }) : () -> ()
      %broadcast_in_dim3A_631 = arith.constant 0.000000e+00 : f32
      %broadcast_in_dim3A_632 = vector.broadcast %broadcast_in_dim3A_631 : f32 to vector<16xf32>
      %get3A_633 = arith.constant 0 : index
      %get3A_634 = tpu.vector_load %arg10[%get3A_633] {strides = array<i32>} : memref<256xf32, #tpu.memory_space<vmem>>, vector<16xf32>,
      %get3A_635 = vector.shape_cast %get3A_634 : vector<16xf32> to vector<16xf32>
      %add3A_636 = arith.addf %broadcast_in_dim3A_632, %get3A_635 : vector<16xf32>
      %get3A_637 = arith.constant 16 : index
      %get3A_638 = tpu.vector_load %arg10[%get3A_637] {strides = array<i32>} : memref<256xf32, #tpu.memory_space<vmem>>, vector<16xf32>,
      %get3A_639 = vector.shape_cast %get3A_638 : vector<16xf32> to vector<16xf32>
      %add3A_640 = arith.addf %add3A_636, %get3A_639 : vector<16xf32>
      %get3A_641 = arith.constant 32 : index
      %get3A_642 = tpu.vector_load %arg10[%get3A_641] {strides = array<i32>} : memref<256xf32, #tpu.memory_space<vmem>>, vector<16xf32>,
      %get3A_643 = vector.shape_cast %get3A_642 : vector<16xf32> to vector<16xf32>
      %add3A_644 = arith.addf %add3A_640, %get3A_643 : vector<16xf32>
      %get3A_645 = arith.constant 48 : index
      %get3A_646 = tpu.vector_load %arg10[%get3A_645] {strides = array<i32>} : memref<256xf32, #tpu.memory_space<vmem>>, vector<16xf32>,
      %get3A_647 = vector.shape_cast %get3A_646 : vector<16xf32> to vector<16xf32>
      %add3A_648 = arith.addf %add3A_644, %get3A_647 : vector<16xf32>
      %get3A_649 = arith.constant 64 : index
      %get3A_650 = tpu.vector_load %arg10[%get3A_649] {strides = array<i32>} : memref<256xf32, #tpu.memory_space<vmem>>, vector<16xf32>,
      %get3A_651 = vector.shape_cast %get3A_650 : vector<16xf32> to vector<16xf32>
      %add3A_652 = arith.addf %add3A_648, %get3A_651 : vector<16xf32>
      %get3A_653 = arith.constant 80 : index
      %get3A_654 = tpu.vector_load %arg10[%get3A_653] {strides = array<i32>} : memref<256xf32, #tpu.memory_space<vmem>>, vector<16xf32>,
      %get3A_655 = vector.shape_cast %get3A_654 : vector<16xf32> to vector<16xf32>
      %add3A_656 = arith.addf %add3A_652, %get3A_655 : vector<16xf32>
      %get3A_657 = arith.constant 96 : index
      %get3A_658 = tpu.vector_load %arg10[%get3A_657] {strides = array<i32>} : memref<256xf32, #tpu.memory_space<vmem>>, vector<16xf32>,
      %get3A_659 = vector.shape_cast %get3A_658 : vector<16xf32> to vector<16xf32>
      %add3A_660 = arith.addf %add3A_656, %get3A_659 : vector<16xf32>
      %get3A_661 = arith.constant 112 : index
      %get3A_662 = tpu.vector_load %arg10[%get3A_661] {strides = array<i32>} : memref<256xf32, #tpu.memory_space<vmem>>, vector<16xf32>,
      %get3A_663 = vector.shape_cast %get3A_662 : vector<16xf32> to vector<16xf32>
      %add3A_664 = arith.addf %add3A_660, %get3A_663 : vector<16xf32>
      %get3A_665 = arith.constant 128 : index
      %get3A_666 = tpu.vector_load %arg10[%get3A_665] {strides = array<i32>} : memref<256xf32, #tpu.memory_space<vmem>>, vector<16xf32>,
      %get3A_667 = vector.shape_cast %get3A_666 : vector<16xf32> to vector<16xf32>
      %add3A_668 = arith.addf %add3A_664, %get3A_667 : vector<16xf32>
      %get3A_669 = arith.constant 144 : index
      %get3A_670 = tpu.vector_load %arg10[%get3A_669] {strides = array<i32>} : memref<256xf32, #tpu.memory_space<vmem>>, vector<16xf32>,
      %get3A_671 = vector.shape_cast %get3A_670 : vector<16xf32> to vector<16xf32>
      %add3A_672 = arith.addf %add3A_668, %get3A_671 : vector<16xf32>
      %get3A_673 = arith.constant 160 : index
      %get3A_674 = tpu.vector_load %arg10[%get3A_673] {strides = array<i32>} : memref<256xf32, #tpu.memory_space<vmem>>, vector<16xf32>,
      %get3A_675 = vector.shape_cast %get3A_674 : vector<16xf32> to vector<16xf32>
      %add3A_676 = arith.addf %add3A_672, %get3A_675 : vector<16xf32>
      %get3A_677 = arith.constant 176 : index
      %get3A_678 = tpu.vector_load %arg10[%get3A_677] {strides = array<i32>} : memref<256xf32, #tpu.memory_space<vmem>>, vector<16xf32>,
      %get3A_679 = vector.shape_cast %get3A_678 : vector<16xf32> to vector<16xf32>
      %add3A_680 = arith.addf %add3A_676, %get3A_679 : vector<16xf32>
      %get3A_681 = arith.constant 192 : index
      %get3A_682 = tpu.vector_load %arg10[%get3A_681] {strides = array<i32>} : memref<256xf32, #tpu.memory_space<vmem>>, vector<16xf32>,
      %get3A_683 = vector.shape_cast %get3A_682 : vector<16xf32> to vector<16xf32>
      %add3A_684 = arith.addf %add3A_680, %get3A_683 : vector<16xf32>
      %get3A_685 = arith.constant 208 : index
      %get3A_686 = tpu.vector_load %arg10[%get3A_685] {strides = array<i32>} : memref<256xf32, #tpu.memory_space<vmem>>, vector<16xf32>,
      %get3A_687 = vector.shape_cast %get3A_686 : vector<16xf32> to vector<16xf32>
      %add3A_688 = arith.addf %add3A_684, %get3A_687 : vector<16xf32>
      %get3A_689 = arith.constant 224 : index
      %get3A_690 = tpu.vector_load %arg10[%get3A_689] {strides = array<i32>} : memref<256xf32, #tpu.memory_space<vmem>>, vector<16xf32>,
      %get3A_691 = vector.shape_cast %get3A_690 : vector<16xf32> to vector<16xf32>
      %add3A_692 = arith.addf %add3A_688, %get3A_691 : vector<16xf32>
      %get3A_693 = arith.constant 240 : index
      %get3A_694 = tpu.vector_load %arg10[%get3A_693] {strides = array<i32>} : memref<256xf32, #tpu.memory_space<vmem>>, vector<16xf32>,
      %get3A_695 = vector.shape_cast %get3A_694 : vector<16xf32> to vector<16xf32>
      %add3A_696 = arith.addf %add3A_692, %get3A_695 : vector<16xf32>
      %slice3A = vector.extract_strided_slice %add3A_696 {offsets = [0], sizes = [1], strides = [1]} : vector<16xf32> to vector<1xf32>
      %squeeze3A = vector.extract %slice3A[0] : f32 from vector<1xf32>
      %add3A_697 = arith.constant 0.000000e+00 : f32
      %add3A_698 = arith.addf %add3A_697, %squeeze3A : f32
      %slice3A_699 = vector.extract_strided_slice %add3A_696 {offsets = [1], sizes = [1], strides = [1]} : vector<16xf32> to vector<1xf32>
      %squeeze3A_700 = vector.extract %slice3A_699[0] : f32 from vector<1xf32>
      %add3A_701 = arith.addf %add3A_698, %squeeze3A_700 : f32
      %slice3A_702 = vector.extract_strided_slice %add3A_696 {offsets = [2], sizes = [1], strides = [1]} : vector<16xf32> to vector<1xf32>
      %squeeze3A_703 = vector.extract %slice3A_702[0] : f32 from vector<1xf32>
      %add3A_704 = arith.addf %add3A_701, %squeeze3A_703 : f32
      %slice3A_705 = vector.extract_strided_slice %add3A_696 {offsets = [3], sizes = [1], strides = [1]} : vector<16xf32> to vector<1xf32>
      %squeeze3A_706 = vector.extract %slice3A_705[0] : f32 from vector<1xf32>
      %add3A_707 = arith.addf %add3A_704, %squeeze3A_706 : f32
      %slice3A_708 = vector.extract_strided_slice %add3A_696 {offsets = [4], sizes = [1], strides = [1]} : vector<16xf32> to vector<1xf32>
      %squeeze3A_709 = vector.extract %slice3A_708[0] : f32 from vector<1xf32>
      %add3A_710 = arith.addf %add3A_707, %squeeze3A_709 : f32
      %slice3A_711 = vector.extract_strided_slice %add3A_696 {offsets = [5], sizes = [1], strides = [1]} : vector<16xf32> to vector<1xf32>
      %squeeze3A_712 = vector.extract %slice3A_711[0] : f32 from vector<1xf32>
      %add3A_713 = arith.addf %add3A_710, %squeeze3A_712 : f32
      %slice3A_714 = vector.extract_strided_slice %add3A_696 {offsets = [6], sizes = [1], strides = [1]} : vector<16xf32> to vector<1xf32>
      %squeeze3A_715 = vector.extract %slice3A_714[0] : f32 from vector<1xf32>
      %add3A_716 = arith.addf %add3A_713, %squeeze3A_715 : f32
      %slice3A_717 = vector.extract_strided_slice %add3A_696 {offsets = [7], sizes = [1], strides = [1]} : vector<16xf32> to vector<1xf32>
      %squeeze3A_718 = vector.extract %slice3A_717[0] : f32 from vector<1xf32>
      %add3A_719 = arith.addf %add3A_716, %squeeze3A_718 : f32
      %slice3A_720 = vector.extract_strided_slice %add3A_696 {offsets = [8], sizes = [1], strides = [1]} : vector<16xf32> to vector<1xf32>
      %squeeze3A_721 = vector.extract %slice3A_720[0] : f32 from vector<1xf32>
      %add3A_722 = arith.addf %add3A_719, %squeeze3A_721 : f32
      %slice3A_723 = vector.extract_strided_slice %add3A_696 {offsets = [9], sizes = [1], strides = [1]} : vector<16xf32> to vector<1xf32>
      %squeeze3A_724 = vector.extract %slice3A_723[0] : f32 from vector<1xf32>
      %add3A_725 = arith.addf %add3A_722, %squeeze3A_724 : f32
      %slice3A_726 = vector.extract_strided_slice %add3A_696 {offsets = [10], sizes = [1], strides = [1]} : vector<16xf32> to vector<1xf32>
      %squeeze3A_727 = vector.extract %slice3A_726[0] : f32 from vector<1xf32>
      %add3A_728 = arith.addf %add3A_725, %squeeze3A_727 : f32
      %slice3A_729 = vector.extract_strided_slice %add3A_696 {offsets = [11], sizes = [1], strides = [1]} : vector<16xf32> to vector<1xf32>
      %squeeze3A_730 = vector.extract %slice3A_729[0] : f32 from vector<1xf32>
      %add3A_731 = arith.addf %add3A_728, %squeeze3A_730 : f32
      %slice3A_732 = vector.extract_strided_slice %add3A_696 {offsets = [12], sizes = [1], strides = [1]} : vector<16xf32> to vector<1xf32>
      %squeeze3A_733 = vector.extract %slice3A_732[0] : f32 from vector<1xf32>
      %add3A_734 = arith.addf %add3A_731, %squeeze3A_733 : f32
      %slice3A_735 = vector.extract_strided_slice %add3A_696 {offsets = [13], sizes = [1], strides = [1]} : vector<16xf32> to vector<1xf32>
      %squeeze3A_736 = vector.extract %slice3A_735[0] : f32 from vector<1xf32>
      %add3A_737 = arith.addf %add3A_734, %squeeze3A_736 : f32
      %slice3A_738 = vector.extract_strided_slice %add3A_696 {offsets = [14], sizes = [1], strides = [1]} : vector<16xf32> to vector<1xf32>
      %squeeze3A_739 = vector.extract %slice3A_738[0] : f32 from vector<1xf32>
      %add3A_740 = arith.addf %add3A_737, %squeeze3A_739 : f32
      %slice3A_741 = vector.extract_strided_slice %add3A_696 {offsets = [15], sizes = [1], strides = [1]} : vector<16xf32> to vector<1xf32>
      %squeeze3A_742 = vector.extract %slice3A_741[0] : f32 from vector<1xf32>
      %add3A_743 = arith.addf %add3A_740, %squeeze3A_742 : f32
      %neg3A = arith.constant 0.000000e+00 : f32
      %neg3A_744 = arith.subf %neg3A, %add3A_743 : f32
      %broadcast_in_dim3A_745 = vector.broadcast %neg3A_744 : f32 to vector<16xf32>
      %swap3A_746 = arith.constant 0 : index
      %swap3A_747 = tpu.vector_load %arg9[%swap3A_746] {strides = array<i32>} : memref<16xf32, #tpu.memory_space<vmem>>, vector<16xf32>,
      %swap3A_748 = vector.shape_cast %swap3A_747 : vector<16xf32> to vector<16xf32>
      %swap3A_749 = vector.shape_cast %broadcast_in_dim3A_745 : vector<16xf32> to vector<16xf32>
      tpu.vector_store %arg9[%swap3A_746], %swap3A_749 {strides = array<i32>} : memref<16xf32, #tpu.memory_space<vmem>>, vector<16xf32>,
      "tpu.region"() ({
        %run_scoped3A = tpu.sem_alloc : memref<!tpu.dma_semaphore, #tpu.memory_space<semaphore_mem>>
        tpu.enqueue_dma source(%arg9 : memref<16xf32, #tpu.memory_space<vmem>>) target(%arg5 : memref<16xf32, #tpu.memory_space<hbm>>) target_semaphore(%run_scoped3A : memref<!tpu.dma_semaphore, #tpu.memory_space<semaphore_mem>>)
        tpu.wait_dma2 semaphore(%run_scoped3A : memref<!tpu.dma_semaphore, #tpu.memory_space<semaphore_mem>>) src(%arg9 : memref<16xf32, #tpu.memory_space<vmem>>) dst(%arg5 : memref<16xf32, #tpu.memory_space<hbm>>)
        tpu.yield
      }) : () -> ()
    } else {
    }
    return
  }
}

</mosaic_0001>

<sc_bundles>
// kernel: kernel.3.cloned.1.call-start
scs
__scs_entry_jumppad:
0x0: {  	(pc) =	sbr.rel $0x88, $3  }
0x1: {  	(tag) =	ssettag $0x0;
	lr =	simm.s32 $0x1  }
0x2: {  	[smem:$0x3F9E] =	sst lr;
	_ =	strace $0xD0000000  }
0x3: {  	_ = 	snop  }
0x4: {  	_ = 	snop  }
0x5: {  	_ = 	snop  }
0x6: {  	_ = 	snop  }
0x7: {  	_ = 	snop  }
__scs_overlays_trampoline_lowered:
0x8: {  	[smem:$0x3FAD] =	sst s0  }
0x9: {  	[smem:$0x3FAE] =	sst s1  }
0xa: {  	[smem:$0x3FAF] =	sst s2  }
0xb: {  	[smem:$0x3FB0] =	sst s3  }
0xc: {  	[smem:$0x3FB1] =	sst s4  }
0xd: {  	[smem:$0x3FB2] =	sst s5  }
0xe: {  	[smem:$0x3FB3] =	sst s6  }
0xf: {  	[smem:$0x3FB4] =	sst s7  }
0x10: {  	[smem:$0x3FB5] =	sst s8  }
0x11: {  	[smem:$0x3FB6] =	sst s9;
	s0 =	simm.s32 @!p0 $0x0  }
0x12: {  	s1 =	sld [smem:$0x3F9C];
	s0 =	simm.s32 @p0 $0x1  }
0x13: {  	[smem:$0x3FB7] =	sst s0;
	s0 =	simm.s32 @!p1 $0x0  }
0x14: {  	s2 =	sld [smem:$0x3F9B];
	s0 =	simm.s32 @p1 $0x1  }
0x15: {  	[smem:$0x3FB8] =	sst s0;
	s0 =	simm.s32 @!p2 $0x0  }
0x16: {  	s3 =	sld [smem:$0x3FDB];
	s0 =	simm.s32 @p2 $0x1  }
0x17: {  	s4 =	simm.s32 $0x1BF5;
	[smem:$0x3FBA] =	sst s0  }
0x18: {  	s0 =	sld [smem:$0x3F9D];
	_ =	swait.ge [sflag:s4], $0x0  }
0x19: {  	s7 =	sld [smem:$0x3F9E]  }
0x1a: {  	s8 =	sadd.s32 $0xFFFFE003, lr  }
0x1b: {  	s9 =	sadd.s32 $0xFFFFFEF7, lr;
	s5 =	simm.s32 $0xFFFFFFFF;
	p2 =	slt.u32 s8, $0xFFFFF086  }
0x1c: {  	p1 =	slt.u32 s9, $0xF7A;
	s5 =	simm.s32 @!p2 $0x0  }
0x1d: {  	s5 =	simm.s32 @p1 $0x1;
	p0 =	seq.s32 s7, s2  }
0x1e: {  	s7 =	smul.u32 @!p0 $0xF7A, s2;
	p2 =	seq.s32 @!p0 s5, $0x0  }
0x1f: {  	s9 =	smul.u32 $0xF7A, s1;
	s8 =	simm.s32 @!p0 $0x1BF5;
	p2 =	por !p2, p0  }
0x20: {  	[sflag:s8] =	ssyncset.s32 @!p0 $0xFFFFF086;
	s6 =	sadd.s32 @!p0 s3, s7;
	s7 =	simm.s32 @!p0 $0x108  }
0x21: {  	s3 =	sadd.s32 s3, s9;
	s6 =	sadd.s32 @!p0 $0x88, s6;
	s7 =	simm.s32 @p2 $0x1082  }
0x22: {  	[simem:s7], [sflag:s8] =	dma.local @!p0 [hbm:s6], $0xF7A  }
0x23: {  	s9 =	sor.u32 $0xD0000000, s2;
	s6 =	simm.s32 $0x108;
	_ =	swait.ge @!p0 [sflag:s8], $0x0  }
0x24: {  	s3 =	sadd.s32 $0x88, s3;
	s6 =	simm.s32 @!p1 $0x1082;
	[sflag:s4] =	ssyncset.s32 $0xFFFFF086  }
0x25: {  	[simem:s6], [sflag:s4] =	dma.local [hbm:s3], $0xF7A  }
0x26: {  	[smem:$0x3F9E] =	sst s1;
	(tag) =	ssettag s2;
	_ =	strace s9  }
0x27: {  	s1 =	sld [smem:$0x3FAE]  }
0x28: {  	s2 =	sld [smem:$0x3FAF]  }
0x29: {  	s4 =	sld [smem:$0x3FB1]  }
0x2a: {  	p0 =	seq.s32 s5, $0x0;
	s5 =	sld [smem:$0x3FB2]  }
0x2b: {  	s6 =	sld [smem:$0x3FB3]  }
0x2c: {  	s7 =	sld [smem:$0x3FB4]  }
0x2d: {  	s3 =	simm.s32 $0x108;
	s8 =	sld [smem:$0x3FB5]  }
0x2e: {  	s3 =	simm.s32 @!p0 $0x1082;
	s9 =	sld [smem:$0x3FB6]  }
0x2f: {  	lr =	sadd.s32 s0, s3;
	s0 =	sld [smem:$0x3FAD]  }
0x30: {  	s3 =	sld [smem:$0x3FB0]  }
0x31: {  	[smem:$0x3FB9] =	sst s10  }
0x32: {  	s10 =	sld [smem:$0x3FB7];
	_ =	sdelay $0x3  }
0x33: {  	p0 =	seq.s32 s10, $0x1;
	s10 =	sld [smem:$0x3FB9];
	_ =	sdelay $0x3  }
0x34: {  	[smem:$0x3FB9] =	sst s10  }
0x35: {  	s10 =	sld [smem:$0x3FB8];
	_ =	sdelay $0x3  }
0x36: {  	p1 =	seq.s32 s10, $0x1;
	s10 =	sld [smem:$0x3FB9];
	_ =	sdelay $0x3  }
0x37: {  	[smem:$0x3FB9] =	sst s10  }
0x38: {  	s10 =	sld [smem:$0x3FBA]  }
0x39: {  	_ = 	snop;
	(pc) =	sbr.ind lr, $3  }
0x3a: {  	_ = 	snop  }
0x3b: {  	_ = 	snop  }
0x3c: {  	p2 =	seq.s32 s10, $0x1;
	s10 =	sld [smem:$0x3FB9]  }
0x3d: {  	_ =	shalt  }
0x3e: {  	_ =	shalt  }
0x3f: {  	_ =	shalt  }
0x40: {  	_ =	shalt  }
0x41: {  	_ =	shalt  }
0x42: {  	_ =	shalt  }
0x43: {  	_ =	shalt  }
0x44: {  	_ =	shalt  }
0x45: {  	_ =	shalt  }
0x46: {  	_ =	shalt  }
0x47: {  	_ =	shalt  }
0x48: {  	_ =	shalt  }
0x49: {  	_ =	shalt  }
0x4a: {  	_ =	shalt  }
0x4b: {  	_ =	shalt  }
0x4c: {  	_ =	shalt  }
0x4d: {  	_ =	shalt  }
0x4e: {  	_ =	shalt  }
0x4f: {  	_ =	shalt  }
0x50: {  	_ =	shalt  }
0x51: {  	_ =	shalt  }
0x52: {  	_ =	shalt  }
0x53: {  	_ =	shalt  }
0x54: {  	_ =	shalt  }
0x55: {  	_ =	shalt  }
0x56: {  	_ =	shalt  }
0x57: {  	_ =	shalt  }
0x58: {  	_ =	shalt  }
0x59: {  	_ =	shalt  }
0x5a: {  	_ =	shalt  }
0x5b: {  	_ =	shalt  }
0x5c: {  	_ =	shalt  }
0x5d: {  	_ =	shalt  }
0x5e: {  	_ =	shalt  }
0x5f: {  	_ =	shalt  }
0x60: {  	_ =	shalt  }
0x61: {  	_ =	shalt  }
0x62: {  	_ =	shalt  }
0x63: {  	_ =	shalt  }
0x64: {  	_ =	shalt  }
0x65: {  	_ =	shalt  }
0x66: {  	_ =	shalt  }
0x67: {  	_ =	shalt  }
0x68: {  	_ =	shalt  }
0x69: {  	_ =	shalt  }
0x6a: {  	_ =	shalt  }
0x6b: {  	_ =	shalt  }
0x6c: {  	_ =	shalt  }
0x6d: {  	_ =	shalt  }
0x6e: {  	_ =	shalt  }
0x6f: {  	_ =	shalt  }
0x70: {  	_ =	shalt  }
0x71: {  	_ =	shalt  }
0x72: {  	_ =	shalt  }
0x73: {  	_ =	shalt  }
0x74: {  	_ =	shalt  }
0x75: {  	_ =	shalt  }
0x76: {  	_ =	shalt  }
0x77: {  	_ =	shalt  }
0x78: {  	_ =	shalt  }
0x79: {  	_ =	shalt  }
0x7a: {  	_ =	shalt  }
0x7b: {  	_ =	shalt  }
0x7c: {  	_ =	shalt  }
0x7d: {  	_ =	shalt  }
0x7e: {  	_ =	shalt  }
0x7f: {  	_ =	shalt  }
0x80: {  	_ =	shalt  }
0x81: {  	_ =	shalt  }
0x82: {  	_ =	shalt  }
0x83: {  	_ =	shalt  }
0x84: {  	_ =	shalt  }
0x85: {  	_ =	shalt  }
0x86: {  	_ =	shalt  }
0x87: {  	_ =	shalt  }
.Lfunc_end0:
.L_simem_size_0:
called_computation_lowered:
.L_overlay_start_0:
0x88: {  	s0 =	sld [smem:$0x3FD9]  }
0x89: {  	s1 =	sld [smem:$0x3FFE];
	_ =	sdelay $0x3  }
0x8a: {  	s0 =	sadd.s32 s1, s0  }
0x8b: {  	[smem:$0x3FC5] =	sst s0  }
0x8c: {  	_ = 	snop  }
0x8d: {  	s0 =	sld [smem:$0x3FC9]  }
0x8e: {  	s17 =	sld [smem:$0x3FC8]  }
0x8f: {  	s2 =	sld [smem:$0x3FC7]  }
0x90: {  	s3 =	sld [smem:$0x3FD0];
	(tm) =	ssettm $0x1  }
0x91: {  	s4 =	sld [smem:$0x3FFB];
	_ =	sdelay $0x3  }
0x92: {  	_ =	strace s4  }
0x93: {  	s4 =	sld [smem:$0x3FFC];
	_ =	sdelay $0x3  }
0x94: {  	_ =	strace s4  }
0x95: {  	s4 =	sld [smem:$0x3FFD];
	_ =	sdelay $0x3  }
0x96: {  	_ =	strace s4  }
0x97: {  	_ =	strace $0x8FFFFFFF  }
0x98: {  	s18 =	sld [smem:$0x3FDB];
	_ =	sdelay $0x1  }
0x99: {  	s5 =	simm.s32 $_scs_section_size  }
0x9a: {  	s6 =	simm.s32 $_size__tile_overlayer_lowered;
	s7 =	simm.s32 $_tile_overlayer_lowered  }
0x9b: {  	s21 =	simm.s32 $0x1BFF;
	s20 =	sshll.u32 s7, $0x1;
	s4 =	sadd.s32 s5, s18  }
0x9c: {  	s8 =	simm.s32 $0x0;
	s19 =	sshll.u32 s6, $0x1;
	s6 =	sadd.s32 s20, s4  }
0x9d: {  	[timem:s8], [sflag:s21] =	dma.local [hbm:s6], s19  }
0x9e: {  	_ =	swait.ge [sflag:s21], s19  }
0x9f: {  	s5 =	ssub.s32 $0x0, s19;
	[sflag:s21] =	ssyncset.done $0x0  }
0xa0: {  	[sflag:s21] =	ssyncadd.s32 s5;
	_ =	sdelay $0x1  }
0xa1: {  	s22 =	simm.s32 $0x1B8B  }
0xa2: {  	_ =	swait.ge [sflag:s22], $0x1  }
0xa3: {  	[sflag:s22] =	ssyncset.done $0x0  }
0xa4: {  	s23 =	simm.s32 $0x1B8E;
	[sflag:s22] =	ssyncadd.s32 $0xFFFFFFFF  }
0xa5: {  	s24 =	simm.s32 $execute0_lowered;
	[smem:$0x3FD2] =	sst s23  }
0xa6: {  	s5 =	sshll.u32 s24, $0x1;
	_ =	strace $0x80000046;
	[dreg:$0x1] =	wrdreg $0xFFFFFFFF  }
0xa7: {  	s25 =	simm.s32 $_size_execute0_lowered;
	s4 =	sadd.s32 s4, s5;
	[dreg:$0x0] =	wrdreg $0x0  }
0xa8: {  	s5 =	sshll.u32 s25, $0x1;
	[dreg:$0x2] =	wrdreg s4  }
0xa9: {  	[dreg:$0x3] =	wrdreg s5  }
0xaa: {  	[dreg:$0x4] =	wrdreg $0xC0  }
0xab: {  	_ =	task [dreg:s8], $0x5FFFF  }
0xac: {  	[dreg:$0x1] =	wrdreg $0xFFFFFFFF  }
0xad: {  	[dreg:$0x0] =	wrdreg $0x60  }
0xae: {  	[dreg:$0x2] =	wrdreg s17  }
0xaf: {  	[dreg:$0x3] =	wrdreg s2  }
0xb0: {  	[dreg:$0x4] =	wrdreg s0  }
0xb1: {  	[dreg:$0x5] =	wrdreg s3  }
0xb2: {  	[dreg:$0x6] =	wrdreg $0x22800  }
0xb3: {  	[dreg:$0x7] =	wrdreg $0x9  }
0xb4: {  	_ =	task.clear_ibuf [dreg:s8], $0x8FFFF;
	_ =	strace $0x90000046  }
0xb5: {  	s26 =	simm.s32 $0x9;
	_ =	strace $0x80000048  }
0xb6: {  	_ =	swait.ge [sflag:s26], $0x1  }
0xb7: {  	[sflag:s26] =	ssyncadd.s32 $0xFFFFFFFF  }
0xb8: {  	_ =	strace $0x90000048  }
0xb9: {  	_ =	sfence  }
0xba: {  	s28 =	sld [smem:$0x0];
	_ =	sdelay $0x1  }
0xbb: {  	s29 =	srdreg.scid  }
0xbc: {  	s30 =	sshll.u32 s29, $0xD;
	s31 =	sshrl.u32 s29, $0x2  }
0xbd: {  	s1 =	sand.u32 $0x1, s29;
	s2 =	sand.u32 $0x4000, s30;
	s0 =	sadd.s32 s31, s28  }
0xbe: {  	s1 =	sor.u32 s2, s1;
	s0 =	sshll.u32 s0, $0x11  }
0xbf: {  	s0 =	sor.u32 s0, s1  }
0xc0: {  	s0 =	sadd.s32 $0x8F2B, s0  }
0xc1: {  	[sflag:s0] =	ssyncadd.remote.s32 $0x1  }
0xc2: {  	_ =	sfence.sel $0xFFFF  }
0xc3: {  	[dreg:$0x0] =	wrdreg $0xFFFFFFFF;
	(pc) =	sbr.abs _section_cstart, $3  }
0xc4: {  	[dreg:$0x1] =	wrdreg $0xFFFFFFFF  }
0xc5: {  	_ =	task.clear_ibuf [dreg:s8], $0x2FFFF;
	_ =	strace $0x9FFFFFFF  }
0xc6: {  	(tm) =	ssettm $0x7FFFFFFF  }
0xc7: {  	_ =	shalt  }
tec
execute0_lowered:
.L_overlay_start_1:
0x0: {  	(tag) =	ssettag $0x1  }
0x1: {  	s3 =	rddreg [dreg:$0x0]  }
0x2: {  	s6 =	rddreg [dreg:$0x1]  }
0x3: {  	s7 =	rddreg [dreg:$0x2]  }
0x4: {  	s1 =	rddreg [dreg:$0x3]  }
0x5: {  	s4 =	rddreg [dreg:$0x4]  }
0x6: {  	s0 =	rddreg [dreg:$0x5];
	s2 =	simm.s32 $0x0;
	s5 =	stileid.u32  }
0x7: {  	[smem:$0x7FF] =	sst s2;
	s8 =	sshll.u32 s5, $0x3  }
0x8: {  	s9 =	simm.s32 $0x80;
	_ =	strace $0x80000047;
	s6 =	sadd.s32 s6, s8  }
0x9: {  	[tilespmem:s9], [sflag:$0x2] =	stream.linear.gather [hbm4b:s6+s2], $0x40, $0x38;
	[tilespmem:$0x2290] =	vst v63  }
0xa: {  	s3 =	sadd.s32 s3, s8  }
0xb: {  	[tilespmem:s2], [sflag:$0x3] =	stream.linear.gather [hbm4b:s3+s2], $0x40, $0x38;
	[tilespmem:$0x2290] =	vst v63  }
0xc: {  	s3 =	simm.s32 $0x3  }
0xd: {  	_ =	swait.ge [sflag:s3], $0x40  }
0xe: {  	[sflag:s3] =	ssyncset.done $0x0  }
0xf: {  	[sflag:s3] =	ssyncadd.s32 $0xFFFFFFC0  }
0x10: {  	v0 =	vld [tilespmem:$0x0];
	_ =	sdelay $0x4  }
0x11: {  	v1 =	vshll.u32 v0, $0x3  }
0x12: {  	v0 =	vand.u32 $0x7, v0;
	v1 =	vand.u32 $0xFFFFFFC0, v1  }
0x13: {  	v53 =	vlaneseq.u32;
	v17 =	vor.u32 v0, v1;
	v1 =	vimm.s32 $0x0  }
0x14: {  	v0 =	vmul.u32 $0x8, v53;
	v3 =	vperm.xlane v17, v1  }
0x15: {  	v2 =	vimm.s32 $0x1  }
0x16: {  	v4 =	vperm.xlane v17, v2;
	v5 =	vadd.s32 v0, v3  }
0x17: {  	v3 =	vimm.s32 $0x2  }
0x18: {  	s6 =	sshll.u32 s5, $0x6;
	v6 =	vadd.s32 v0, v4;
	v7 =	vperm.xlane v17, v3  }
0x19: {  	s29 =	sand.u32 $0x380, s6;
	v4 =	vimm.s32 $0x3  }
0x1a: {  	vm0 =	vmmov $0x1;
	s30 =	simm.s32 $0x100;
	s7 =	sadd.s32 s7, s29;
	v8 =	vperm.xlane v17, v4;
	v7 =	vadd.s32 v0, v7  }
0x1b: {  	[tilespmem:s30], [sflag:$0x1] =	stream.indirect_vreg.gather [hbm4b:s7+s2], $0x80, v5, vm0, $0xb8;
	v5 =	vimm.s32 $0x4;
	[tilespmem:$0x2290] =	vst v63  }
0x1c: {  	s31 =	simm.s32 $0x180;
	v9 =	vadd.s32 v0, v8;
	v54 =	vperm.xlane v17, v5  }
0x1d: {  	[tilespmem:s31], [sflag:$0x1] =	stream.indirect_vreg.gather [hbm4b:s7+s2], $0x80, v6, vm0, $0xb8;
	v6 =	vimm.s32 $0x5;
	[tilespmem:$0x2290] =	vst v63  }
0x1e: {  	s9 =	simm.s32 $0x200;
	v10 =	vadd.s32 v0, v54;
	v11 =	vperm.xlane v17, v6  }
0x1f: {  	v8 =	vimm.s32 $0x6;
	[tilespmem:s9], [sflag:$0x1] =	stream.indirect_vreg.gather [hbm4b:s7+s2], $0x80, v7, vm0, $0xb8;
	[tilespmem:$0x2290] =	vst v63  }
0x20: {  	s10 =	simm.s32 $0x280;
	v12 =	vperm.xlane v17, v8;
	v11 =	vadd.s32 v0, v11  }
0x21: {  	v7 =	vimm.s32 $0x7;
	[tilespmem:s10], [sflag:$0x1] =	stream.indirect_vreg.gather [hbm4b:s7+s2], $0x80, v9, vm0, $0xb8;
	[tilespmem:$0x2290] =	vst v63  }
0x22: {  	s11 =	simm.s32 $0x300;
	v12 =	vadd.s32 v0, v12;
	v13 =	vperm.xlane v17, v7  }
0x23: {  	v9 =	vimm.s32 $0x8;
	[tilespmem:s11], [sflag:$0x1] =	stream.indirect_vreg.gather [hbm4b:s7+s2], $0x80, v10, vm0, $0xb8;
	[tilespmem:$0x2290] =	vst v63  }
0x24: {  	s12 =	simm.s32 $0x380;
	v13 =	vadd.s32 v0, v13;
	v14 =	vperm.xlane v17, v9  }
0x25: {  	v10 =	vimm.s32 $0x9;
	[tilespmem:s12], [sflag:$0x1] =	stream.indirect_vreg.gather [hbm4b:s7+s2], $0x80, v11, vm0, $0xb8;
	[tilespmem:$0x2290] =	vst v63  }
0x26: {  	s13 =	simm.s32 $0x400;
	v14 =	vadd.s32 v0, v14;
	v15 =	vperm.xlane v17, v10  }
0x27: {  	v11 =	vimm.s32 $0xA;
	[tilespmem:s13], [sflag:$0x1] =	stream.indirect_vreg.gather [hbm4b:s7+s2], $0x80, v12, vm0, $0xb8;
	[tilespmem:$0x2290] =	vst v63  }
0x28: {  	s14 =	simm.s32 $0x480;
	v15 =	vadd.s32 v0, v15;
	v16 =	vperm.xlane v17, v11  }
0x29: {  	v12 =	vimm.s32 $0xB;
	[tilespmem:s14], [sflag:$0x1] =	stream.indirect_vreg.gather [hbm4b:s7+s2], $0x80, v13, vm0, $0xb8;
	[tilespmem:$0x2290] =	vst v63  }
0x2a: {  	s15 =	simm.s32 $0x500;
	v16 =	vadd.s32 v0, v16;
	v18 =	vperm.xlane v17, v12  }
0x2b: {  	v13 =	vimm.s32 $0xC;
	[tilespmem:s15], [sflag:$0x1] =	stream.indirect_vreg.gather [hbm4b:s7+s2], $0x80, v14, vm0, $0xb8;
	[tilespmem:$0x2290] =	vst v63  }
0x2c: {  	s16 =	simm.s32 $0x580;
	v18 =	vadd.s32 v0, v18;
	v19 =	vperm.xlane v17, v13  }
0x2d: {  	v14 =	vimm.s32 $0xD;
	[tilespmem:s16], [sflag:$0x1] =	stream.indirect_vreg.gather [hbm4b:s7+s2], $0x80, v15, vm0, $0xb8;
	[tilespmem:$0x2290] =	vst v63  }
0x2e: {  	s17 =	simm.s32 $0x600;
	v19 =	vadd.s32 v0, v19;
	v20 =	vperm.xlane v17, v14  }
0x2f: {  	v15 =	vimm.s32 $0xE;
	[tilespmem:s17], [sflag:$0x1] =	stream.indirect_vreg.gather [hbm4b:s7+s2], $0x80, v16, vm0, $0xb8;
	[tilespmem:$0x2290] =	vst v63  }
0x30: {  	s18 =	simm.s32 $0x680;
	v20 =	vadd.s32 v0, v20;
	v21 =	vperm.xlane v17, v15  }
0x31: {  	v16 =	vimm.s32 $0xF;
	[tilespmem:s18], [sflag:$0x1] =	stream.indirect_vreg.gather [hbm4b:s7+s2], $0x80, v18, vm0, $0xb8;
	[tilespmem:$0x2290] =	vst v63  }
0x32: {  	s19 =	simm.s32 $0x700;
	v55 =	vadd.s32 v0, v21;
	v17 =	vperm.xlane v17, v16  }
0x33: {  	[tilespmem:s19], [sflag:$0x1] =	stream.indirect_vreg.gather [hbm4b:s7+s2], $0x80, v19, vm0, $0xb8;
	[tilespmem:$0x2290] =	vst v63  }
0x34: {  	s20 =	simm.s32 $0x780;
	v17 =	vadd.s32 v0, v17  }
0x35: {  	[tilespmem:s20], [sflag:$0x1] =	stream.indirect_vreg.gather [hbm4b:s7+s2], $0x80, v20, vm0, $0xb8;
	[tilespmem:$0x2290] =	vst v63  }
0x36: {  	s21 =	simm.s32 $0x800  }
0x37: {  	[tilespmem:s21], [sflag:$0x1] =	stream.indirect_vreg.gather [hbm4b:s7+s2], $0x80, v55, vm0, $0xb8;
	[tilespmem:$0x2290] =	vst v63  }
0x38: {  	s22 =	simm.s32 $0x880  }
0x39: {  	[tilespmem:s22], [sflag:$0x1] =	stream.indirect_vreg.gather [hbm4b:s7+s2], $0x80, v17, vm0, $0xb8;
	[tilespmem:$0x2290] =	vst v63  }
0x3a: {  	v17 =	vld [tilespmem:$0x10];
	_ =	sdelay $0x4  }
0x3b: {  	v56 =	vshll.u32 v17, $0x3  }
0x3c: {  	v17 =	vand.u32 $0x7, v17;
	v18 =	vand.u32 $0xFFFFFFC0, v56  }
0x3d: {  	v17 =	vor.u32 v17, v18  }
0x3e: {  	v18 =	vperm.xlane v17, v1;
	_ =	sdelay $0x1  }
0x3f: {  	v57 =	vperm.xlane v17, v2;
	v18 =	vadd.s32 v0, v18;
	_ =	sdelay $0x1  }
0x40: {  	v58 =	vperm.xlane v17, v3;
	v19 =	vadd.s32 v0, v57;
	_ =	sdelay $0x1  }
0x41: {  	s23 =	simm.s32 $0x900;
	v59 =	vperm.xlane v17, v4;
	v20 =	vadd.s32 v0, v58  }
0x42: {  	[tilespmem:s23], [sflag:$0x1] =	stream.indirect_vreg.gather [hbm4b:s7+s2], $0x80, v18, vm0, $0xb8;
	[tilespmem:$0x2290] =	vst v63  }
0x43: {  	s24 =	simm.s32 $0x980;
	v61 =	vperm.xlane v17, v5;
	v60 =	vadd.s32 v0, v59  }
0x44: {  	[tilespmem:s24], [sflag:$0x1] =	stream.indirect_vreg.gather [hbm4b:s7+s2], $0x80, v19, vm0, $0xb8;
	[tilespmem:$0x2290] =	vst v63  }
0x45: {  	s25 =	simm.s32 $0xA00;
	v63 =	vperm.xlane v17, v6;
	v62 =	vadd.s32 v0, v61  }
0x46: {  	[tilespmem:s25], [sflag:$0x1] =	stream.indirect_vreg.gather [hbm4b:s7+s2], $0x80, v20, vm0, $0xb8;
	[tilespmem:$0x2290] =	vst v63  }
0x47: {  	s26 =	simm.s32 $0xA80;
	v25 =	vperm.xlane v17, v8;
	v24 =	vadd.s32 v0, v63  }
0x48: {  	[tilespmem:s26], [sflag:$0x1] =	stream.indirect_vreg.gather [hbm4b:s7+s2], $0x80, v60, vm0, $0xb8;
	[tilespmem:$0x2290] =	vst v63  }
0x49: {  	s28 =	simm.s32 $0xB00;
	v27 =	vperm.xlane v17, v7;
	v26 =	vadd.s32 v0, v25  }
0x4a: {  	[tilespmem:s28], [sflag:$0x1] =	stream.indirect_vreg.gather [hbm4b:s7+s2], $0x80, v62, vm0, $0xb8;
	[tilespmem:$0x2290] =	vst v63  }
0x4b: {  	s29 =	simm.s32 $0xB80;
	v29 =	vperm.xlane v17, v9;
	v28 =	vadd.s32 v0, v27  }
0x4c: {  	[tilespmem:s29], [sflag:$0x1] =	stream.indirect_vreg.gather [hbm4b:s7+s2], $0x80, v24, vm0, $0xb8;
	[tilespmem:$0x2290] =	vst v63  }
0x4d: {  	s30 =	simm.s32 $0xC00;
	v31 =	vperm.xlane v17, v10;
	v30 =	vadd.s32 v0, v29  }
0x4e: {  	[tilespmem:s30], [sflag:$0x1] =	stream.indirect_vreg.gather [hbm4b:s7+s2], $0x80, v26, vm0, $0xb8;
	[tilespmem:$0x2290] =	vst v63  }
0x4f: {  	s31 =	simm.s32 $0xC80;
	v33 =	vperm.xlane v17, v11;
	v32 =	vadd.s32 v0, v31  }
0x50: {  	[tilespmem:s31], [sflag:$0x1] =	stream.indirect_vreg.gather [hbm4b:s7+s2], $0x80, v28, vm0, $0xb8;
	[tilespmem:$0x2290] =	vst v63  }
0x51: {  	s9 =	simm.s32 $0xD00;
	v35 =	vperm.xlane v17, v12;
	v34 =	vadd.s32 v0, v33  }
0x52: {  	[tilespmem:s9], [sflag:$0x1] =	stream.indirect_vreg.gather [hbm4b:s7+s2], $0x80, v30, vm0, $0xb8;
	[tilespmem:$0x2290] =	vst v63  }
0x53: {  	s10 =	simm.s32 $0xD80;
	v37 =	vperm.xlane v17, v13;
	v36 =	vadd.s32 v0, v35  }
0x54: {  	[tilespmem:s10], [sflag:$0x1] =	stream.indirect_vreg.gather [hbm4b:s7+s2], $0x80, v32, vm0, $0xb8;
	[tilespmem:$0x2290] =	vst v63  }
0x55: {  	s11 =	simm.s32 $0xE00;
	v39 =	vperm.xlane v17, v14;
	v38 =	vadd.s32 v0, v37  }
0x56: {  	[tilespmem:s11], [sflag:$0x1] =	stream.indirect_vreg.gather [hbm4b:s7+s2], $0x80, v34, vm0, $0xb8;
	[tilespmem:$0x2290] =	vst v63  }
0x57: {  	s12 =	simm.s32 $0xE80;
	v41 =	vperm.xlane v17, v15;
	v40 =	vadd.s32 v0, v39  }
0x58: {  	[tilespmem:s12], [sflag:$0x1] =	stream.indirect_vreg.gather [hbm4b:s7+s2], $0x80, v36, vm0, $0xb8;
	[tilespmem:$0x2290] =	vst v63  }
0x59: {  	s13 =	simm.s32 $0xF00;
	v17 =	vperm.xlane v17, v16;
	v42 =	vadd.s32 v0, v41  }
0x5a: {  	[tilespmem:s13], [sflag:$0x1] =	stream.indirect_vreg.gather [hbm4b:s7+s2], $0x80, v38, vm0, $0xb8;
	[tilespmem:$0x2290] =	vst v63  }
0x5b: {  	s14 =	simm.s32 $0xF80;
	v17 =	vadd.s32 v0, v17  }
0x5c: {  	[tilespmem:s14], [sflag:$0x1] =	stream.indirect_vreg.gather [hbm4b:s7+s2], $0x80, v40, vm0, $0xb8;
	[tilespmem:$0x2290] =	vst v63  }
0x5d: {  	s15 =	simm.s32 $0x1000  }
0x5e: {  	[tilespmem:s15], [sflag:$0x1] =	stream.indirect_vreg.gather [hbm4b:s7+s2], $0x80, v42, vm0, $0xb8;
	[tilespmem:$0x2290] =	vst v63  }
0x5f: {  	s16 =	simm.s32 $0x1080  }
0x60: {  	[tilespmem:s16], [sflag:$0x1] =	stream.indirect_vreg.gather [hbm4b:s7+s2], $0x80, v17, vm0, $0xb8;
	[tilespmem:$0x2290] =	vst v63  }
0x61: {  	v17 =	vld [tilespmem:$0x20];
	_ =	sdelay $0x4  }
0x62: {  	v43 =	vshll.u32 v17, $0x3  }
0x63: {  	v17 =	vand.u32 $0x7, v17;
	v18 =	vand.u32 $0xFFFFFFC0, v43  }
0x64: {  	v17 =	vor.u32 v17, v18  }
0x65: {  	v18 =	vperm.xlane v17, v1;
	_ =	sdelay $0x1  }
0x66: {  	v44 =	vperm.xlane v17, v2;
	v18 =	vadd.s32 v0, v18;
	_ =	sdelay $0x1  }
0x67: {  	v45 =	vperm.xlane v17, v3;
	v19 =	vadd.s32 v0, v44;
	_ =	sdelay $0x1  }
0x68: {  	s17 =	simm.s32 $0x1100;
	v46 =	vperm.xlane v17, v4;
	v20 =	vadd.s32 v0, v45  }
0x69: {  	[tilespmem:s17], [sflag:$0x1] =	stream.indirect_vreg.gather [hbm4b:s7+s2], $0x80, v18, vm0, $0xb8;
	[tilespmem:$0x2290] =	vst v63  }
0x6a: {  	s18 =	simm.s32 $0x1180;
	v48 =	vperm.xlane v17, v5;
	v47 =	vadd.s32 v0, v46  }
0x6b: {  	[tilespmem:s18], [sflag:$0x1] =	stream.indirect_vreg.gather [hbm4b:s7+s2], $0x80, v19, vm0, $0xb8;
	[tilespmem:$0x2290] =	vst v63  }
0x6c: {  	s19 =	simm.s32 $0x1200;
	v50 =	vperm.xlane v17, v6;
	v49 =	vadd.s32 v0, v48  }
0x6d: {  	[tilespmem:s19], [sflag:$0x1] =	stream.indirect_vreg.gather [hbm4b:s7+s2], $0x80, v20, vm0, $0xb8;
	[tilespmem:$0x2290] =	vst v63  }
0x6e: {  	s20 =	simm.s32 $0x1280;
	v52 =	vperm.xlane v17, v8;
	v51 =	vadd.s32 v0, v50  }
0x6f: {  	[tilespmem:s20], [sflag:$0x1] =	stream.indirect_vreg.gather [hbm4b:s7+s2], $0x80, v47, vm0, $0xb8;
	[tilespmem:$0x2290] =	vst v63  }
0x70: {  	s21 =	simm.s32 $0x1300;
	v54 =	vperm.xlane v17, v7;
	v53 =	vadd.s32 v0, v52  }
0x71: {  	[tilespmem:s21], [sflag:$0x1] =	stream.indirect_vreg.gather [hbm4b:s7+s2], $0x80, v49, vm0, $0xb8;
	[tilespmem:$0x2290] =	vst v63  }
0x72: {  	s22 =	simm.s32 $0x1380;
	v56 =	vperm.xlane v17, v9;
	v55 =	vadd.s32 v0, v54  }
0x73: {  	[tilespmem:s22], [sflag:$0x1] =	stream.indirect_vreg.gather [hbm4b:s7+s2], $0x80, v51, vm0, $0xb8;
	[tilespmem:$0x2290] =	vst v63  }
0x74: {  	s23 =	simm.s32 $0x1400;
	v58 =	vperm.xlane v17, v10;
	v57 =	vadd.s32 v0, v56  }
0x75: {  	[tilespmem:s23], [sflag:$0x1] =	stream.indirect_vreg.gather [hbm4b:s7+s2], $0x80, v53, vm0, $0xb8;
	[tilespmem:$0x2290] =	vst v63  }
0x76: {  	s24 =	simm.s32 $0x1480;
	v60 =	vperm.xlane v17, v11;
	v59 =	vadd.s32 v0, v58  }
0x77: {  	[tilespmem:s24], [sflag:$0x1] =	stream.indirect_vreg.gather [hbm4b:s7+s2], $0x80, v55, vm0, $0xb8;
	[tilespmem:$0x2290] =	vst v63  }
0x78: {  	s25 =	simm.s32 $0x1500;
	v62 =	vperm.xlane v17, v12;
	v61 =	vadd.s32 v0, v60  }
0x79: {  	[tilespmem:s25], [sflag:$0x1] =	stream.indirect_vreg.gather [hbm4b:s7+s2], $0x80, v57, vm0, $0xb8;
	[tilespmem:$0x2290] =	vst v63  }
0x7a: {  	s26 =	simm.s32 $0x1580;
	v24 =	vperm.xlane v17, v13;
	v63 =	vadd.s32 v0, v62  }
0x7b: {  	[tilespmem:s26], [sflag:$0x1] =	stream.indirect_vreg.gather [hbm4b:s7+s2], $0x80, v59, vm0, $0xb8;
	[tilespmem:$0x2290] =	vst v63  }
0x7c: {  	s28 =	simm.s32 $0x1600;
	v26 =	vperm.xlane v17, v14;
	v25 =	vadd.s32 v0, v24  }
0x7d: {  	[tilespmem:s28], [sflag:$0x1] =	stream.indirect_vreg.gather [hbm4b:s7+s2], $0x80, v61, vm0, $0xb8;
	[tilespmem:$0x2290] =	vst v63  }
0x7e: {  	s29 =	simm.s32 $0x1680;
	v28 =	vperm.xlane v17, v15;
	v27 =	vadd.s32 v0, v26  }
0x7f: {  	[tilespmem:s29], [sflag:$0x1] =	stream.indirect_vreg.gather [hbm4b:s7+s2], $0x80, v63, vm0, $0xb8;
	[tilespmem:$0x2290] =	vst v63  }
0x80: {  	s30 =	simm.s32 $0x1700;
	v17 =	vperm.xlane v17, v16;
	v29 =	vadd.s32 v0, v28  }
0x81: {  	[tilespmem:s30], [sflag:$0x1] =	stream.indirect_vreg.gather [hbm4b:s7+s2], $0x80, v25, vm0, $0xb8;
	[tilespmem:$0x2290] =	vst v63  }
0x82: {  	s31 =	simm.s32 $0x1780;
	v17 =	vadd.s32 v0, v17  }
0x83: {  	[tilespmem:s31], [sflag:$0x1] =	stream.indirect_vreg.gather [hbm4b:s7+s2], $0x80, v27, vm0, $0xb8;
	[tilespmem:$0x2290] =	vst v63  }
0x84: {  	s9 =	simm.s32 $0x1800  }
0x85: {  	[tilespmem:s9], [sflag:$0x1] =	stream.indirect_vreg.gather [hbm4b:s7+s2], $0x80, v29, vm0, $0xb8;
	[tilespmem:$0x2290] =	vst v63  }
0x86: {  	s10 =	simm.s32 $0x1880  }
0x87: {  	[tilespmem:s10], [sflag:$0x1] =	stream.indirect_vreg.gather [hbm4b:s7+s2], $0x80, v17, vm0, $0xb8;
	[tilespmem:$0x2290] =	vst v63  }
0x88: {  	v17 =	vld [tilespmem:$0x30];
	_ =	sdelay $0x4  }
0x89: {  	v30 =	vshll.u32 v17, $0x3  }
0x8a: {  	v17 =	vand.u32 $0x7, v17;
	v18 =	vand.u32 $0xFFFFFFC0, v30  }
0x8b: {  	v17 =	vor.u32 v17, v18  }
0x8c: {  	v1 =	vperm.xlane v17, v1;
	_ =	sdelay $0x1  }
0x8d: {  	v2 =	vperm.xlane v17, v2;
	v1 =	vadd.s32 v0, v1;
	_ =	sdelay $0x1  }
0x8e: {  	v3 =	vperm.xlane v17, v3;
	v2 =	vadd.s32 v0, v2;
	_ =	sdelay $0x1  }
0x8f: {  	s11 =	simm.s32 $0x1900;
	v4 =	vperm.xlane v17, v4;
	v3 =	vadd.s32 v0, v3  }
0x90: {  	[tilespmem:s11], [sflag:$0x1] =	stream.indirect_vreg.gather [hbm4b:s7+s2], $0x80, v1, vm0, $0xb8;
	[tilespmem:$0x2290] =	vst v63  }
0x91: {  	s12 =	simm.s32 $0x1980;
	v32 =	vperm.xlane v17, v5;
	v31 =	vadd.s32 v0, v4  }
0x92: {  	[tilespmem:s12], [sflag:$0x1] =	stream.indirect_vreg.gather [hbm4b:s7+s2], $0x80, v2, vm0, $0xb8;
	[tilespmem:$0x2290] =	vst v63  }
0x93: {  	s13 =	simm.s32 $0x1A00;
	v34 =	vperm.xlane v17, v6;
	v33 =	vadd.s32 v0, v32  }
0x94: {  	[tilespmem:s13], [sflag:$0x1] =	stream.indirect_vreg.gather [hbm4b:s7+s2], $0x80, v3, vm0, $0xb8;
	[tilespmem:$0x2290] =	vst v63  }
0x95: {  	s14 =	simm.s32 $0x1A80;
	v36 =	vperm.xlane v17, v8;
	v35 =	vadd.s32 v0, v34  }
0x96: {  	[tilespmem:s14], [sflag:$0x1] =	stream.indirect_vreg.gather [hbm4b:s7+s2], $0x80, v31, vm0, $0xb8;
	[tilespmem:$0x2290] =	vst v63  }
0x97: {  	s15 =	simm.s32 $0x1B00;
	v38 =	vperm.xlane v17, v7;
	v37 =	vadd.s32 v0, v36  }
0x98: {  	[tilespmem:s15], [sflag:$0x1] =	stream.indirect_vreg.gather [hbm4b:s7+s2], $0x80, v33, vm0, $0xb8;
	[tilespmem:$0x2290] =	vst v63  }
0x99: {  	s16 =	simm.s32 $0x1B80;
	v40 =	vperm.xlane v17, v9;
	v39 =	vadd.s32 v0, v38  }
0x9a: {  	[tilespmem:s16], [sflag:$0x1] =	stream.indirect_vreg.gather [hbm4b:s7+s2], $0x80, v35, vm0, $0xb8;
	[tilespmem:$0x2290] =	vst v63  }
0x9b: {  	s17 =	simm.s32 $0x1C00;
	v42 =	vperm.xlane v17, v10;
	v41 =	vadd.s32 v0, v40  }
0x9c: {  	[tilespmem:s17], [sflag:$0x1] =	stream.indirect_vreg.gather [hbm4b:s7+s2], $0x80, v37, vm0, $0xb8;
	[tilespmem:$0x2290] =	vst v63  }
0x9d: {  	s18 =	simm.s32 $0x1C80;
	v44 =	vperm.xlane v17, v11;
	v43 =	vadd.s32 v0, v42  }
0x9e: {  	[tilespmem:s18], [sflag:$0x1] =	stream.indirect_vreg.gather [hbm4b:s7+s2], $0x80, v39, vm0, $0xb8;
	[tilespmem:$0x2290] =	vst v63  }
0x9f: {  	s19 =	simm.s32 $0x1D00;
	v46 =	vperm.xlane v17, v12;
	v45 =	vadd.s32 v0, v44  }
0xa0: {  	[tilespmem:s19], [sflag:$0x1] =	stream.indirect_vreg.gather [hbm4b:s7+s2], $0x80, v41, vm0, $0xb8;
	[tilespmem:$0x2290] =	vst v63  }
0xa1: {  	s20 =	simm.s32 $0x1D80;
	v48 =	vperm.xlane v17, v13;
	v47 =	vadd.s32 v0, v46  }
0xa2: {  	[tilespmem:s20], [sflag:$0x1] =	stream.indirect_vreg.gather [hbm4b:s7+s2], $0x80, v43, vm0, $0xb8;
	[tilespmem:$0x2290] =	vst v63  }
0xa3: {  	s21 =	simm.s32 $0x1E00;
	v50 =	vperm.xlane v17, v14;
	v49 =	vadd.s32 v0, v48  }
0xa4: {  	[tilespmem:s21], [sflag:$0x1] =	stream.indirect_vreg.gather [hbm4b:s7+s2], $0x80, v45, vm0, $0xb8;
	[tilespmem:$0x2290] =	vst v63  }
0xa5: {  	s22 =	simm.s32 $0x1E80;
	v52 =	vperm.xlane v17, v15;
	v51 =	vadd.s32 v0, v50  }
0xa6: {  	[tilespmem:s22], [sflag:$0x1] =	stream.indirect_vreg.gather [hbm4b:s7+s2], $0x80, v47, vm0, $0xb8;
	[tilespmem:$0x2290] =	vst v63  }
0xa7: {  	s23 =	simm.s32 $0x1F00;
	v54 =	vperm.xlane v17, v16;
	v53 =	vadd.s32 v0, v52  }
0xa8: {  	[tilespmem:s23], [sflag:$0x1] =	stream.indirect_vreg.gather [hbm4b:s7+s2], $0x80, v49, vm0, $0xb8;
	[tilespmem:$0x2290] =	vst v63  }
0xa9: {  	s24 =	simm.s32 $0x1F80;
	v0 =	vadd.s32 v0, v54  }
0xaa: {  	[tilespmem:s24], [sflag:$0x1] =	stream.indirect_vreg.gather [hbm4b:s7+s2], $0x80, v51, vm0, $0xb8;
	[tilespmem:$0x2290] =	vst v63  }
0xab: {  	s25 =	simm.s32 $0x2000  }
0xac: {  	[tilespmem:s25], [sflag:$0x1] =	stream.indirect_vreg.gather [hbm4b:s7+s2], $0x80, v53, vm0, $0xb8;
	[tilespmem:$0x2290] =	vst v63  }
0xad: {  	s26 =	simm.s32 $0x2080;
	s28 =	simm.s32 $0x2  }
0xae: {  	[tilespmem:s26], [sflag:$0x1] =	stream.indirect_vreg.gather [hbm4b:s7+s2], $0x80, v0, vm0, $0xb8;
	[tilespmem:$0x2290] =	vst v63  }
0xaf: {  	_ =	swait.ge [sflag:s28], $0x40  }
0xb0: {  	[sflag:s28] =	ssyncset.done $0x0  }
0xb1: {  	s29 =	simm.s32 $0x1;
	[sflag:s28] =	ssyncadd.s32 $0xFFFFFFC0  }
0xb2: {  	_ =	swait.ge [sflag:s29], $0x2000  }
0xb3: {  	[sflag:s29] =	ssyncset.done $0x0  }
0xb4: {  	[sflag:s29] =	ssyncadd.s32 $0xFFFFE000  }
0xb5: {  	s30 =	sand.u32 $0x40, s6;
	v0 =	vld [tilespmem:$0x80]  }
0xb6: {  	v55 =	vld [tilespmem:s30+$0x100]  }
0xb7: {  	v56 =	vld [tilespmem:s30+$0x180]  }
0xb8: {  	v57 =	vld [tilespmem:s30+$0x200]  }
0xb9: {  	v58 =	vld [tilespmem:s30+$0x280]  }
0xba: {  	v59 =	vld [tilespmem:s30+$0x300]  }
0xbb: {  	v60 =	vld [tilespmem:s30+$0x380]  }
0xbc: {  	v61 =	vld [tilespmem:s30+$0x400]  }
0xbd: {  	v62 =	vld [tilespmem:s30+$0x480]  }
0xbe: {  	v63 =	vld [tilespmem:s30+$0x500]  }
0xbf: {  	v42 =	vld [tilespmem:s30+$0x580]  }
0xc0: {  	v43 =	vld [tilespmem:s30+$0x600]  }
0xc1: {  	v44 =	vld [tilespmem:s30+$0x680]  }
0xc2: {  	v45 =	vld [tilespmem:s30+$0x700]  }
0xc3: {  	v46 =	vld [tilespmem:s30+$0x780]  }
0xc4: {  	v47 =	vld [tilespmem:s30+$0x800]  }
0xc5: {  	v48 =	vld [tilespmem:s30+$0x880]  }
0xc6: {  	v17 =	vld [tilespmem:$0x90]  }
0xc7: {  	v49 =	vld [tilespmem:s30+$0x910]  }
0xc8: {  	v50 =	vld [tilespmem:s30+$0x990]  }
0xc9: {  	v51 =	vld [tilespmem:s30+$0xA10]  }
0xca: {  	v52 =	vld [tilespmem:s30+$0xA90]  }
0xcb: {  	v22 =	vld [tilespmem:s30+$0xB10]  }
0xcc: {  	v23 =	vld [tilespmem:s30+$0xB90]  }
0xcd: {  	v24 =	vld [tilespmem:s30+$0xC10]  }
0xce: {  	v25 =	vld [tilespmem:s30+$0xC90]  }
0xcf: {  	v26 =	vld [tilespmem:s30+$0xD10]  }
0xd0: {  	v27 =	vld [tilespmem:s30+$0xD90]  }
0xd1: {  	v28 =	vld [tilespmem:s30+$0xE10]  }
0xd2: {  	v29 =	vld [tilespmem:s30+$0xE90]  }
0xd3: {  	v30 =	vld [tilespmem:s30+$0xF10]  }
0xd4: {  	v31 =	vld [tilespmem:s30+$0xF90]  }
0xd5: {  	v32 =	vld [tilespmem:s30+$0x1010]  }
0xd6: {  	v33 =	vld [tilespmem:s30+$0x1090]  }
0xd7: {  	v34 =	vld [tilespmem:$0xA0]  }
0xd8: {  	v35 =	vld [tilespmem:s30+$0x1120]  }
0xd9: {  	v36 =	vld [tilespmem:s30+$0x11A0]  }
0xda: {  	v37 =	vld [tilespmem:s30+$0x1220]  }
0xdb: {  	v38 =	vld [tilespmem:s30+$0x12A0]  }
0xdc: {  	v39 =	vld [tilespmem:s30+$0x1320]  }
0xdd: {  	v53 =	vld [tilespmem:s30+$0x13A0]  }
0xde: {  	vm14 =	vmmov $0x3;
	v54 =	vld [tilespmem:s30+$0x1420];
	v1 =	vsel vm0, v55, v56  }
0xdf: {  	vm13 =	vmmov $0x7;
	v40 =	vld [tilespmem:s30+$0x19B0];
	v1 =	vsel vm14, v1, v57  }
0xe0: {  	vm12 =	vmmov $0xf;
	v41 =	vld [tilespmem:s30+$0x1A30];
	v1 =	vsel vm13, v1, v58  }
0xe1: {  	vm11 =	vmmov $0x1f;
	v55 =	vld [tilespmem:s30+$0x14A0];
	v1 =	vsel vm12, v1, v59  }
0xe2: {  	vm10 =	vmmov $0x3f;
	v56 =	vld [tilespmem:s30+$0x1520];
	v1 =	vsel vm11, v1, v60  }
0xe3: {  	vm9 =	vmmov $0x7f;
	v57 =	vld [tilespmem:s30+$0x15A0];
	v1 =	vsel vm10, v1, v61  }
0xe4: {  	vm7 =	vmmov $0xff;
	v58 =	vld [tilespmem:s30+$0x1620];
	v1 =	vsel vm9, v1, v62  }
0xe5: {  	vm8 =	vmmov $0x1ff;
	v59 =	vld [tilespmem:s30+$0x16A0];
	v1 =	vsel vm7, v1, v63  }
0xe6: {  	vm6 =	vmmov $0x3ff;
	v60 =	vld [tilespmem:s30+$0x1720];
	v1 =	vsel vm8, v1, v42  }
0xe7: {  	vm1 =	vmmov $0x7ff;
	v63 =	vld [tilespmem:s30+$0x1930];
	v1 =	vsel vm6, v1, v43  }
0xe8: {  	vm2 =	vmmov $0xfff;
	v61 =	vld [tilespmem:s30+$0x17A0];
	v1 =	vsel vm1, v1, v44  }
0xe9: {  	vm3 =	vmmov $0x1fff;
	v62 =	vld [tilespmem:s30+$0x1820];
	v42 =	vsel vm0, v49, v50;
	v1 =	vsel vm2, v1, v45  }
0xea: {  	vm4 =	vmmov $0x3fff;
	v43 =	vld [tilespmem:s30+$0x1AB0];
	v15 =	vsel vm14, v42, v51;
	v1 =	vsel vm3, v1, v46  }
0xeb: {  	vm5 =	vmmov $0x7fff;
	v44 =	vld [tilespmem:s30+$0x1B30];
	v45 =	vsel vm13, v15, v52;
	v1 =	vsel vm4, v1, v47  }
0xec: {  	v49 =	vld [tilespmem:s30+$0x1C30];
	v46 =	vsel vm0, v35, v36;
	v12 =	vsel vm0, v63, v40;
	v1 =	vsel vm5, v1, v48  }
0xed: {  	v47 =	vld [tilespmem:s30+$0x1BB0];
	v48 =	vsel vm14, v46, v37;
	v0 =	vmul.f32 v1, v0;
	v1 =	vsel vm12, v45, v22  }
0xee: {  	v50 =	vld [tilespmem:s30+$0x1CB0];
	v12 =	vsel vm14, v12, v41;
	v13 =	vsel vm13, v48, v38;
	v1 =	vsel vm11, v1, v23  }
0xef: {  	v51 =	vld [tilespmem:s30+$0x1D30];
	v12 =	vsel vm13, v12, v43;
	v13 =	vsel vm12, v13, v39;
	v1 =	vsel vm10, v1, v24  }
0xf0: {  	v52 =	vld [tilespmem:s30+$0x1DB0];
	v12 =	vsel vm12, v12, v44;
	v2 =	vsel vm11, v13, v53;
	v1 =	vsel vm9, v1, v25  }
0xf1: {  	v53 =	vld [tilespmem:s30+$0x1E30];
	v0 =	vadd.f32 $0.0e+00, v0;
	v2 =	vsel vm10, v2, v54;
	v1 =	vsel vm7, v1, v26  }
0xf2: {  	v12 =	vsel vm11, v12, v47;
	v54 =	vld [tilespmem:s30+$0x18A0];
	v2 =	vsel vm9, v2, v55;
	v1 =	vsel vm8, v1, v27  }
0xf3: {  	v12 =	vsel vm10, v12, v49;
	v55 =	vld [tilespmem:s30+$0x1EB0];
	v2 =	vsel vm7, v2, v56;
	v1 =	vsel vm6, v1, v28  }
0xf4: {  	v12 =	vsel vm9, v12, v50;
	v56 =	vld [tilespmem:s30+$0x1F30];
	v2 =	vsel vm8, v2, v57;
	v1 =	vsel vm1, v1, v29  }
0xf5: {  	v12 =	vsel vm7, v12, v51;
	v57 =	vld [tilespmem:s30+$0x1FB0];
	v2 =	vsel vm6, v2, v58;
	v1 =	vsel vm2, v1, v30  }
0xf6: {  	v12 =	vsel vm8, v12, v52;
	v58 =	vld [tilespmem:s30+$0x2030];
	v2 =	vsel vm1, v2, v59;
	v1 =	vsel vm3, v1, v31  }
0xf7: {  	v3 =	vsel vm6, v12, v53;
	v59 =	vld [tilespmem:s30+$0x20B0];
	v2 =	vsel vm2, v2, v60;
	v1 =	vsel vm4, v1, v32  }
0xf8: {  	v60 =	vld [tilespmem:$0xB0];
	v3 =	vsel vm1, v3, v55;
	v2 =	vsel vm3, v2, v61;
	v1 =	vsel vm5, v1, v33  }
0xf9: {  	v3 =	vsel vm2, v3, v56;
	v2 =	vsel vm4, v2, v62;
	v1 =	vmul.f32 v1, v17  }
0xfa: {  	v3 =	vsel vm3, v3, v57;
	v2 =	vsel vm5, v2, v54  }
0xfb: {  	v62 =	vsel vm4, v3, v58;
	v61 =	vmul.f32 v2, v34;
	v0 =	vadd.f32 v1, v0  }
0xfc: {  	v2 =	vsel vm5, v62, v59  }
0xfd: {  	v63 =	vmul.f32 v2, v60;
	v0 =	vadd.f32 v61, v0;
	_ =	sdelay $0x1  }
0xfe: {  	v0 =	vadd.f32 v63, v0  }
0xff: {  	s6 =	sshrl.u32 s6, $0x2  }
0x100: {  	s31 =	sadd.s32 s6, s4;
	s6 =	simm.s32 $0x2100;
	[tilespmem:$0x2100] =	vst v0  }
0x101: {  	[spmem:s31] =	stream.linear.scatter [tilespmem:s6], [sflag:$0x3], $0x10, $0x38;
	[tilespmem:$0x2290] =	vst v63  }
0x102: {  	_ =	swait.ge [sflag:s3], $0x10  }
0x103: {  	[sflag:s3] =	ssyncset.done $0x0  }
0x104: {  	[sflag:s3] =	ssyncadd.s32 $0xFFFFFFF0  }
0x105: {  	p0 =	sne.s32 s5, $0x0;
	[bflag:$0x0] =	sbarrier.arrive $0xFFFF  }
0x106: {  	_ =	sfence.sel @p0 $0x180000  }
0x107: {  	[bflag:$0x0] =	sbarrier.arrive @p0 $0xFFFF  }
0x108: {  	_ =	strace @p0 $0x90000047  }
0x109: {  	[bflag:$0x2] =	sbarrier.arrive @p0 $0xFFFF  }
0x10a: {  	_ =	shalt @p0  }
.LBB2_1:
0x10b: {  	s5 =	simm.s32 $0x2180  }
0x10c: {  	[tilespmem:s5], [sflag:$0x3] =	stream.linear.gather [spmem:s4], $0x100, $0x38;
	[tilespmem:$0x2290] =	vst v63  }
0x10d: {  	_ =	swait.ge [sflag:s3], $0x100  }
0x10e: {  	[sflag:s3] =	ssyncset.done $0x0  }
0x10f: {  	[sflag:s3] =	ssyncadd.s32 $0xFFFFFF00  }
0x110: {  	v0 =	vld [tilespmem:$0x2180];
	_ =	sdelay $0x1  }
0x111: {  	v1 =	vld [tilespmem:$0x2190];
	_ =	sdelay $0x1  }
0x112: {  	v2 =	vld [tilespmem:$0x21A0]  }
0x113: {  	v0 =	vadd.f32 $0.0e+00, v0  }
0x114: {  	v3 =	vld [tilespmem:$0x21B0]  }
0x115: {  	v0 =	vadd.f32 v1, v0  }
0x116: {  	v51 =	vld [tilespmem:$0x21C0]  }
0x117: {  	v0 =	vadd.f32 v2, v0  }
0x118: {  	v52 =	vld [tilespmem:$0x21D0]  }
0x119: {  	v0 =	vadd.f32 v3, v0  }
0x11a: {  	v53 =	vld [tilespmem:$0x21E0]  }
0x11b: {  	v0 =	vadd.f32 v51, v0  }
0x11c: {  	v54 =	vld [tilespmem:$0x21F0]  }
0x11d: {  	v0 =	vadd.f32 v52, v0  }
0x11e: {  	v55 =	vld [tilespmem:$0x2200]  }
0x11f: {  	v0 =	vadd.f32 v53, v0  }
0x120: {  	v56 =	vld [tilespmem:$0x2210]  }
0x121: {  	v0 =	vadd.f32 v54, v0  }
0x122: {  	v57 =	vld [tilespmem:$0x2220]  }
0x123: {  	v0 =	vadd.f32 v55, v0  }
0x124: {  	v58 =	vld [tilespmem:$0x2230]  }
0x125: {  	v0 =	vadd.f32 v56, v0  }
0x126: {  	v59 =	vld [tilespmem:$0x2240]  }
0x127: {  	v0 =	vadd.f32 v57, v0  }
0x128: {  	v60 =	vld [tilespmem:$0x2250]  }
0x129: {  	v0 =	vadd.f32 v58, v0  }
0x12a: {  	v61 =	vld [tilespmem:$0x2260]  }
0x12b: {  	v0 =	vadd.f32 v59, v0  }
0x12c: {  	v62 =	vld [tilespmem:$0x2270]  }
0x12d: {  	v0 =	vadd.f32 v60, v0;
	_ =	sdelay $0x1  }
0x12e: {  	v0 =	vadd.f32 v61, v0;
	_ =	sdelay $0x1  }
0x12f: {  	v0 =	vadd.f32 v62, v0;
	_ =	sdelay $0x1  }
0x130: {  	(v2sf) =	vpush v0, $0x0;
	_ =	sdelay $0x1  }
0x131: {  	(v2sf) =	vpush v0, $0x1;
	_ =	sdelay $0x1  }
0x132: {  	(v2sf) =	vpush v0, $0x2;
	_ =	sdelay $0x1  }
0x133: {  	(v2sf) =	vpush v0, $0x3;
	_ =	sdelay $0x1  }
0x134: {  	(v2sf) =	vpush v0, $0x4;
	_ =	sdelay $0x1  }
0x135: {  	(v2sf) =	vpush v0, $0x5;
	_ =	sdelay $0x1  }
0x136: {  	(v2sf) =	vpush v0, $0x6;
	_ =	sdelay $0x1  }
0x137: {  	(v2sf) =	vpush v0, $0x7  }
0x138: {  	s15 =	spop (v2sf)  }
0x139: {  	(v2sf) =	vpush v0, $0x8;
	s4 =	sadd.f32 $0.0e+00, s15  }
0x13a: {  	s16 =	spop (v2sf)  }
0x13b: {  	(v2sf) =	vpush v0, $0x9;
	s4 =	sadd.f32 s4, s16  }
0x13c: {  	s17 =	spop (v2sf)  }
0x13d: {  	(v2sf) =	vpush v0, $0xA;
	s4 =	sadd.f32 s4, s17  }
0x13e: {  	s18 =	spop (v2sf)  }
0x13f: {  	(v2sf) =	vpush v0, $0xB;
	s4 =	sadd.f32 s4, s18  }
0x140: {  	s19 =	spop (v2sf)  }
0x141: {  	(v2sf) =	vpush v0, $0xC;
	s4 =	sadd.f32 s4, s19  }
0x142: {  	s20 =	spop (v2sf)  }
0x143: {  	(v2sf) =	vpush v0, $0xD;
	s4 =	sadd.f32 s4, s20  }
0x144: {  	s21 =	spop (v2sf)  }
0x145: {  	(v2sf) =	vpush v0, $0xE;
	s4 =	sadd.f32 s4, s21  }
0x146: {  	s22 =	spop (v2sf)  }
0x147: {  	(v2sf) =	vpush v0, $0xF;
	s4 =	sadd.f32 s4, s22  }
0x148: {  	s23 =	spop (v2sf)  }
0x149: {  	s4 =	sadd.f32 s4, s23  }
0x14a: {  	s24 =	spop (v2sf)  }
0x14b: {  	s4 =	sadd.f32 s4, s24  }
0x14c: {  	s25 =	spop (v2sf)  }
0x14d: {  	s4 =	sadd.f32 s4, s25  }
0x14e: {  	s26 =	spop (v2sf)  }
0x14f: {  	s4 =	sadd.f32 s4, s26  }
0x150: {  	s28 =	spop (v2sf)  }
0x151: {  	s4 =	sadd.f32 s4, s28  }
0x152: {  	s29 =	spop (v2sf)  }
0x153: {  	s4 =	sadd.f32 s4, s29  }
0x154: {  	s30 =	spop (v2sf)  }
0x155: {  	s4 =	sadd.f32 s4, s30  }
0x156: {  	s31 =	spop (v2sf)  }
0x157: {  	s4 =	sadd.f32 s4, s31;
	_ =	sdelay $0x1  }
0x158: {  	s4 =	ssub.f32 $0.0e+00, s4;
	_ =	sdelay $0x1  }
0x159: {  	v63 =	vmov s4  }
0x15a: {  	[tilespmem:$0x2100] =	vst v63  }
0x15b: {  	[hbm4b:s1+s2] =	stream.linear.scatter [tilespmem:s6], [sflag:$0x3], $0x80, $0x38;
	[tilespmem:$0x2290] =	vst v63  }
0x15c: {  	_ =	swait.ge [sflag:s3], $0x80  }
0x15d: {  	[sflag:s3] =	ssyncset.done $0x0  }
0x15e: {  	[sflag:s3] =	ssyncadd.s32 $0xFFFFFF80  }
0x15f: {  	_ =	sfence.sel $0x180000  }
0x160: {  	[bflag:$0x0] =	sbarrier.arrive $0xFFFF  }
0x161: {  	_ =	strace $0x90000047  }
0x162: {  	s0 =	sadd.s32 $0x100000, s0;
	[bflag:$0x2] =	sbarrier.arrive $0xFFFF  }
0x163: {  	[sflag:s0] =	ssyncadd.tile.s32 $0x1;
	_ =	shalt  }
.Lfunc_end2:
_tile_overlayer_lowered:
.L_overlay_start_2:
0x164: {  	(tag) =	ssettag $0x2  }
0x165: {  	s0 =	rddreg [dreg:$0x0];
	s2 =	stileid.u32  }
0x166: {  	s1 =	rddreg [dreg:$0x1];
	p0 =	sne.s32 s2, $0x0  }
0x167: {  	s3 =	rddreg [dreg:$0x2];
	[bflag:$0x3] =	sbarrier.arrive $0xFFFF;
	s2 =	simm.s32 @!p0 $0x1C03  }
0x168: {  	[timem:s3], [sflag:s2] =	dma.local @!p0 [hbm:s0], s1  }
0x169: {  	s0 =	simm.s32 @!p0 $0x3  }
0x16a: {  	_ =	swait.ge @!p0 [sflag:s0], s1  }
0x16b: {  	s1 =	ssub.s32 @!p0 $0x0, s1;
	[sflag:s0] =	ssyncset.done @!p0 $0x0  }
0x16c: {  	[sflag:s0] =	ssyncadd.s32 @!p0 s1  }
0x16d: {  	[bflag:$0x3] =	sbarrier.arrive $0xFFFF  }
0x16e: {  	_ =	shalt  }

</sc_bundles>
